<compile_context>
chip_gen: v7x
topology: tpu7x:2x2x1
jax: 0.10.2.dev20260603
libtpu: 0.0.44.dev20260713+nightly
codegen_flags: <defaults>
</compile_context>

<pallas_src>
import functools

import jax
import jax.numpy as jnp
from jax import lax
from jax.experimental import pallas as pl
from jax.experimental.pallas import tpu as pltpu
from jax.experimental.pallas import tpu_sc as plsc

B, P, F = 4, 8192, 768
NC, NS = 2, 16
NW = NC * NS
WPB = NW // B
RPW = P // WPB
CHUNK = 64
NCHUNK = RPW // CHUNK

_mesh = plsc.VectorSubcoreMesh(core_axis_name="c", subcore_axis_name="s")


@functools.partial(
    pl.kernel,
    out_type=jax.ShapeDtypeStruct((B, P, F), jnp.float32),
    mesh=_mesh,
    scratch_types=[
        pltpu.VMEM((RPW,), jnp.int32),
        pltpu.VMEM((2, CHUNK, F), jnp.float32),
        pltpu.SemaphoreType.DMA,
    ],
)
def _gather_kernel(x_hbm, idx_hbm, out_hbm, idx_v, rows_v, gsem):
    wid = lax.axis_index("s") * NC + lax.axis_index("c")
    bb = wid // WPB
    pbase = (wid % WPB) * RPW

    pltpu.sync_copy(idx_hbm.at[pl.ds(pbase, RPW)], idx_v)

    def fire_gather(c, b):
        pltpu.async_copy(
            x_hbm.at[bb].at[idx_v.at[pl.ds(c * CHUNK, CHUNK)]],
            rows_v.at[b],
            gsem,
        )

    fire_gather(0, 0)
    fire_gather(1, 1)

    @pl.loop(0, NCHUNK, step=2)
    def _(k):
        for b in range(2):
            c = k + b
            pltpu.make_async_copy(
                x_hbm.at[bb].at[idx_v.at[pl.ds(0, CHUNK)]], rows_v.at[b], gsem
            ).wait()
            pltpu.sync_copy(
                rows_v.at[b], out_hbm.at[bb].at[pl.ds(pbase + c * CHUNK, CHUNK)]
            )

            @pl.when(c + 2 < NCHUNK)
            def _():
                fire_gather(c + 2, b)


def kernel(x, routing_map):
    return _gather_kernel(x, routing_map)

# --- scband reference (transcript-rebuilt; emitter-appended) ---
"""Pipeline reference for scband-reindex-76768245449440 (READ-ONLY COPY).

The authoritative reference and input builder live on the scoring server;
editing this copy changes nothing except your own understanding.
"""

import jax, jax.numpy as jnp
import numpy as np


def setup_inputs(seed: int = 0) -> dict:
    key = jax.random.key(seed)
    k1, k2 = jax.random.split(key)
    B, P_in, F = 4, 8192, 768
    P_out = P_in  # 80% branch in original: P_out == P_in
    x = jax.random.normal(k1, (B, P_in, F), dtype=jnp.float32)
    # routing_map is fixed at init time in the torch module; here we materialize the
    # collision-map variant (random positions), the most general gather pattern.
    routing_map = jax.random.randint(k2, (P_out,), 0, P_in, dtype=jnp.int32)
    return {"x": x, "routing_map": routing_map}


def reference(x, routing_map):
    # Faithful translation of: X_reindexed = X[:, self.routing_map, :]
    # Gather along the positional axis -> SparseCore-friendly jnp.take.
    x_reindexed = jnp.take(x, routing_map, axis=1)
    return x_reindexed

if __name__ == "__main__":
    import jax
    _d = setup_inputs()
    print(jax.jit(kernel)(*tuple(_d.values())))

</pallas_src>

<mosaic_0001>
#map = affine_map<(d0, d1) -> (0, 0, 0)>
#map1 = affine_map<(d0, d1) -> (0)>
module attributes {stable_mosaic.version = 14 : i64} {
  func.func @_gather_kernel(%arg0: i32, %arg1: i32, %arg2: memref<4x8192x768xf32, #tpu.memory_space<hbm>>, %arg3: memref<8192xi32, #tpu.memory_space<hbm>>, %arg4: memref<4x8192x768xf32, #tpu.memory_space<hbm>>, %arg5: memref<1024xi32, #tpu.memory_space<vmem>>, %arg6: memref<2x64x768xf32, #tpu.memory_space<vmem>>, %arg7: memref<!tpu.dma_semaphore, #tpu.memory_space<semaphore_mem>>) attributes {dimension_semantics = [#tpu.dimension_semantics<core_parallel>, #tpu.dimension_semantics<subcore_parallel>], iteration_bounds = array<i64: 2, 16>, scalar_prefetch = 0 : i64, scratch_operands = 3 : i64, tpu.core_type = #tpu.core_type<sc_vector_subcore>, window_params = [{transform_indices = #map}, {transform_indices = #map1}, {transform_indices = #map}]} {
    %mul3A = arith.constant 2 : i32
    %mul3A_0 = arith.muli %arg1, %mul3A : i32
    %add3A = arith.addi %mul3A_0, %arg0 : i32
    %jit3A = arith.constant 8 : i32
    %div3A = arith.divsi %add3A, %jit3A : i32
    %sign3A = arith.constant 0 : i32
    %sign3A_1 = arith.cmpi sgt, %add3A, %sign3A : i32
    %sign3A_2 = arith.extui %sign3A_1 : i1 to i32
    %sign3A_3 = arith.constant 0 : i32
    %sign3A_4 = arith.cmpi slt, %add3A, %sign3A_3 : i32
    %sign3A_5 = arith.extui %sign3A_4 : i1 to i32
    %sign3A_6 = arith.subi %sign3A_2, %sign3A_5 : i32
    %sign3A_7 = arith.constant 0 : i32
    %sign3A_8 = arith.cmpi sgt, %jit3A, %sign3A_7 : i32
    %sign3A_9 = arith.extui %sign3A_8 : i1 to i32
    %sign3A_10 = arith.constant 0 : i32
    %sign3A_11 = arith.cmpi slt, %jit3A, %sign3A_10 : i32
    %sign3A_12 = arith.extui %sign3A_11 : i1 to i32
    %sign3A_13 = arith.subi %sign3A_9, %sign3A_12 : i32
    %ne3A = arith.cmpi ne, %sign3A_6, %sign3A_13 : i32
    %rem3A = arith.remsi %add3A, %jit3A : i32
    %ne3A_14 = arith.constant 0 : i32
    %ne3A_15 = arith.cmpi ne, %rem3A, %ne3A_14 : i32
    %and3A = arith.andi %ne3A, %ne3A_15 : i1
    %sub3A = arith.constant 1 : i32
    %sub3A_16 = arith.subi %div3A, %sub3A : i32
    %select_n3A = arith.select %and3A, %sub3A_16, %div3A : i32
    %jit3A_17 = arith.constant 8 : i32
    %eq3A = arith.constant 0 : i32
    %eq3A_18 = arith.cmpi eq, %jit3A_17, %eq3A : i32
    %jit3A_19 = arith.constant 1 : i32
    %select_n3A_20 = arith.select %eq3A_18, %jit3A_19, %jit3A_17 : i32
    %rem3A_21 = arith.remsi %add3A, %select_n3A_20 : i32
    %ne3A_22 = arith.constant 0 : i32
    %ne3A_23 = arith.cmpi ne, %rem3A_21, %ne3A_22 : i32
    %lt3A = arith.constant 0 : i32
    %lt3A_24 = arith.cmpi slt, %rem3A_21, %lt3A : i32
    %lt3A_25 = arith.constant 0 : i32
    %lt3A_26 = arith.cmpi slt, %select_n3A_20, %lt3A_25 : i32
    %ne3A_27 = arith.xori %lt3A_24, %lt3A_26 : i1
    %and3A_28 = arith.andi %ne3A_27, %ne3A_23 : i1
    %add3A_29 = arith.addi %rem3A_21, %select_n3A_20 : i32
    %select_n3A_30 = arith.select %and3A_28, %add3A_29, %rem3A_21 : i32
    %mul3A_31 = arith.constant 1024 : i32
    %mul3A_32 = arith.muli %select_n3A_30, %mul3A_31 : i32
    "tpu.region"() ({
      %run_scoped3A = tpu.sem_alloc : memref<!tpu.dma_semaphore, #tpu.memory_space<semaphore_mem>>
      %dma_start3A_64 = tpu.memref_slice %arg3[%mul3A_32] : memref<8192xi32, #tpu.memory_space<hbm>> -> memref<1024xi32, #tpu.memory_space<hbm>>
      %dma_start3A_65 = tpu.memref_slice %arg3[%mul3A_32] : memref<8192xi32, #tpu.memory_space<hbm>> -> memref<1024xi32, #tpu.memory_space<hbm>>
      tpu.enqueue_dma source(%dma_start3A_65 : memref<1024xi32, #tpu.memory_space<hbm>>) target(%arg5 : memref<1024xi32, #tpu.memory_space<vmem>>) target_semaphore(%run_scoped3A : memref<!tpu.dma_semaphore, #tpu.memory_space<semaphore_mem>>)
      %dma_wait3A = tpu.memref_slice %arg3[%mul3A_32] : memref<8192xi32, #tpu.memory_space<hbm>> -> memref<1024xi32, #tpu.memory_space<hbm>>
      %dma_wait3A_66 = tpu.memref_slice %arg3[%mul3A_32] : memref<8192xi32, #tpu.memory_space<hbm>> -> memref<1024xi32, #tpu.memory_space<hbm>>
      tpu.wait_dma2 semaphore(%run_scoped3A : memref<!tpu.dma_semaphore, #tpu.memory_space<semaphore_mem>>) src(%dma_wait3A_66 : memref<1024xi32, #tpu.memory_space<hbm>>) dst(%arg5 : memref<1024xi32, #tpu.memory_space<vmem>>)
      tpu.yield
    }) : () -> ()
    %dma_start3A = arith.constant 0 : i32
    %dma_start3A_33 = arith.constant 0 : i32
    %dma_start3A_34 = arith.constant 0 : i32
    %dma_start3A_35 = tpu.memref_slice %arg6[%dma_start3A, %dma_start3A_33, %dma_start3A_34] : memref<2x64x768xf32, #tpu.memory_space<vmem>> -> memref<1x64x768xf32, #tpu.memory_space<vmem>>
    %dma_start3A_36 = tpu.memref_squeeze %dma_start3A_35 : memref<1x64x768xf32, #tpu.memory_space<vmem>> -> memref<64x768xf32, #tpu.memory_space<vmem>>
    %dma_start3A_37 = arith.constant 0 : i32
    %dma_start3A_38 = tpu.memref_slice %arg5[%dma_start3A_37] : memref<1024xi32, #tpu.memory_space<vmem>> -> memref<64xi32, #tpu.memory_space<vmem>>
    %dma_start3A_39 = arith.constant 0 : i32
    %dma_start3A_40 = arith.constant 0 : i32
    %dma_start3A_41 = tpu.memref_slice %arg2[%select_n3A, %dma_start3A_39, %dma_start3A_40] : memref<4x8192x768xf32, #tpu.memory_space<hbm>> -> memref<1x8192x768xf32, #tpu.memory_space<hbm>>
    %dma_start3A_42 = tpu.memref_squeeze %dma_start3A_41 : memref<1x8192x768xf32, #tpu.memory_space<hbm>> -> memref<8192x768xf32, #tpu.memory_space<hbm>>
    %dma_start3A_43 = arith.constant 0 : i32
    %dma_start3A_44 = arith.constant 0 : i32
    %dma_start3A_45 = tpu.memref_slice %dma_start3A_42[%dma_start3A_43, %dma_start3A_44] : memref<8192x768xf32, #tpu.memory_space<hbm>> -> memref<8192x768xf32, #tpu.memory_space<hbm>>
    tpu.enqueue_indirect_dma source(%dma_start3A_45 : memref<8192x768xf32, #tpu.memory_space<hbm>>) target(%dma_start3A_36 : memref<64x768xf32, #tpu.memory_space<vmem>>) offsets(%dma_start3A_38 : memref<64xi32, #tpu.memory_space<vmem>>) semaphore(%arg7 : memref<!tpu.dma_semaphore, #tpu.memory_space<semaphore_mem>>)
    %dma_start3A_46 = arith.constant 1 : i32
    %dma_start3A_47 = arith.constant 0 : i32
    %dma_start3A_48 = arith.constant 0 : i32
    %dma_start3A_49 = tpu.memref_slice %arg6[%dma_start3A_46, %dma_start3A_47, %dma_start3A_48] : memref<2x64x768xf32, #tpu.memory_space<vmem>> -> memref<1x64x768xf32, #tpu.memory_space<vmem>>
    %dma_start3A_50 = tpu.memref_squeeze %dma_start3A_49 : memref<1x64x768xf32, #tpu.memory_space<vmem>> -> memref<64x768xf32, #tpu.memory_space<vmem>>
    %dma_start3A_51 = arith.constant 64 : i32
    %dma_start3A_52 = tpu.memref_slice %arg5[%dma_start3A_51] : memref<1024xi32, #tpu.memory_space<vmem>> -> memref<64xi32, #tpu.memory_space<vmem>>
    %dma_start3A_53 = arith.constant 0 : i32
    %dma_start3A_54 = arith.constant 0 : i32
    %dma_start3A_55 = tpu.memref_slice %arg2[%select_n3A, %dma_start3A_53, %dma_start3A_54] : memref<4x8192x768xf32, #tpu.memory_space<hbm>> -> memref<1x8192x768xf32, #tpu.memory_space<hbm>>
    %dma_start3A_56 = tpu.memref_squeeze %dma_start3A_55 : memref<1x8192x768xf32, #tpu.memory_space<hbm>> -> memref<8192x768xf32, #tpu.memory_space<hbm>>
    %dma_start3A_57 = arith.constant 0 : i32
    %dma_start3A_58 = arith.constant 0 : i32
    %dma_start3A_59 = tpu.memref_slice %dma_start3A_56[%dma_start3A_57, %dma_start3A_58] : memref<8192x768xf32, #tpu.memory_space<hbm>> -> memref<8192x768xf32, #tpu.memory_space<hbm>>
    tpu.enqueue_indirect_dma source(%dma_start3A_59 : memref<8192x768xf32, #tpu.memory_space<hbm>>) target(%dma_start3A_50 : memref<64x768xf32, #tpu.memory_space<vmem>>) offsets(%dma_start3A_52 : memref<64xi32, #tpu.memory_space<vmem>>) semaphore(%arg7 : memref<!tpu.dma_semaphore, #tpu.memory_space<semaphore_mem>>)
    %scan3A = arith.constant 0 : i32
    %scan3A_60 = arith.constant 8 : i32
    %scan3A_61 = arith.addi %scan3A, %scan3A_60 : i32
    %scan3A_62 = arith.constant 1 : i32
    scf.for %scan3A_64 = %scan3A to %scan3A_61 step %scan3A_62  : i32 {
      %mul3A_65 = arith.constant 2 : i32
      %mul3A_66 = arith.muli %scan3A_64, %mul3A_65 : i32
      %add3A_67 = arith.constant 0 : i32
      %add3A_68 = arith.addi %add3A_67, %mul3A_66 : i32
      %add3A_69 = arith.constant 0 : i32
      %add3A_70 = arith.addi %add3A_68, %add3A_69 : i32
      %dma_wait3A = arith.constant 0 : i32
      %dma_wait3A_71 = arith.constant 0 : i32
      %dma_wait3A_72 = arith.constant 0 : i32
      %dma_wait3A_73 = tpu.memref_slice %arg6[%dma_wait3A, %dma_wait3A_71, %dma_wait3A_72] : memref<2x64x768xf32, #tpu.memory_space<vmem>> -> memref<1x64x768xf32, #tpu.memory_space<vmem>>
      %dma_wait3A_74 = tpu.memref_squeeze %dma_wait3A_73 : memref<1x64x768xf32, #tpu.memory_space<vmem>> -> memref<64x768xf32, #tpu.memory_space<vmem>>
      %dma_wait3A_75 = arith.constant 0 : i32
      %dma_wait3A_76 = tpu.memref_slice %arg5[%dma_wait3A_75] : memref<1024xi32, #tpu.memory_space<vmem>> -> memref<64xi32, #tpu.memory_space<vmem>>
      %dma_wait3A_77 = arith.constant 0 : i32
      %dma_wait3A_78 = arith.constant 0 : i32
      %dma_wait3A_79 = tpu.memref_slice %arg2[%select_n3A, %dma_wait3A_77, %dma_wait3A_78] : memref<4x8192x768xf32, #tpu.memory_space<hbm>> -> memref<1x8192x768xf32, #tpu.memory_space<hbm>>
      %dma_wait3A_80 = tpu.memref_squeeze %dma_wait3A_79 : memref<1x8192x768xf32, #tpu.memory_space<hbm>> -> memref<8192x768xf32, #tpu.memory_space<hbm>>
      %dma_wait3A_81 = arith.constant 0 : i32
      %dma_wait3A_82 = arith.constant 0 : i32
      %dma_wait3A_83 = tpu.memref_slice %dma_wait3A_80[%dma_wait3A_81, %dma_wait3A_82] : memref<8192x768xf32, #tpu.memory_space<hbm>> -> memref<8192x768xf32, #tpu.memory_space<hbm>>
      tpu.wait_indirect_dma semaphore(%arg7 : memref<!tpu.dma_semaphore, #tpu.memory_space<semaphore_mem>>) src(%dma_wait3A_83 : memref<8192x768xf32, #tpu.memory_space<hbm>>) dst(%dma_wait3A_74 : memref<64x768xf32, #tpu.memory_space<vmem>>)
      %mul3A_84 = arith.constant 64 : i32
      %mul3A_85 = arith.muli %add3A_70, %mul3A_84 : i32
      %add3A_86 = arith.addi %mul3A_32, %mul3A_85 : i32
      %run_scoped3A = arith.constant 0 : i32
      "tpu.region"() ({
        %run_scoped3A_119 = tpu.sem_alloc : memref<!tpu.dma_semaphore, #tpu.memory_space<semaphore_mem>>
        %dma_start3A_120 = arith.constant 0 : i32
        %dma_start3A_121 = arith.constant 0 : i32
        %dma_start3A_122 = tpu.memref_slice %arg6[%run_scoped3A, %dma_start3A_120, %dma_start3A_121] : memref<2x64x768xf32, #tpu.memory_space<vmem>> -> memref<1x64x768xf32, #tpu.memory_space<vmem>>
        %dma_start3A_123 = tpu.memref_squeeze %dma_start3A_122 : memref<1x64x768xf32, #tpu.memory_space<vmem>> -> memref<64x768xf32, #tpu.memory_space<vmem>>
        %dma_start3A_124 = arith.constant 0 : i32
        %dma_start3A_125 = arith.constant 0 : i32
        %dma_start3A_126 = tpu.memref_slice %arg4[%select_n3A, %dma_start3A_124, %dma_start3A_125] : memref<4x8192x768xf32, #tpu.memory_space<hbm>> -> memref<1x8192x768xf32, #tpu.memory_space<hbm>>
        %dma_start3A_127 = tpu.memref_squeeze %dma_start3A_126 : memref<1x8192x768xf32, #tpu.memory_space<hbm>> -> memref<8192x768xf32, #tpu.memory_space<hbm>>
        %dma_start3A_128 = arith.constant 0 : i32
        %dma_start3A_129 = tpu.memref_slice %dma_start3A_127[%add3A_86, %dma_start3A_128] : memref<8192x768xf32, #tpu.memory_space<hbm>> -> memref<64x768xf32, #tpu.memory_space<hbm>>
        %dma_start3A_130 = arith.constant 0 : i32
        %dma_start3A_131 = arith.constant 0 : i32
        %dma_start3A_132 = tpu.memref_slice %arg4[%select_n3A, %dma_start3A_130, %dma_start3A_131] : memref<4x8192x768xf32, #tpu.memory_space<hbm>> -> memref<1x8192x768xf32, #tpu.memory_space<hbm>>
        %dma_start3A_133 = tpu.memref_squeeze %dma_start3A_132 : memref<1x8192x768xf32, #tpu.memory_space<hbm>> -> memref<8192x768xf32, #tpu.memory_space<hbm>>
        %dma_start3A_134 = arith.constant 0 : i32
        %dma_start3A_135 = tpu.memref_slice %dma_start3A_133[%add3A_86, %dma_start3A_134] : memref<8192x768xf32, #tpu.memory_space<hbm>> -> memref<64x768xf32, #tpu.memory_space<hbm>>
        %dma_start3A_136 = arith.constant 0 : i32
        %dma_start3A_137 = arith.constant 0 : i32
        %dma_start3A_138 = tpu.memref_slice %arg6[%run_scoped3A, %dma_start3A_136, %dma_start3A_137] : memref<2x64x768xf32, #tpu.memory_space<vmem>> -> memref<1x64x768xf32, #tpu.memory_space<vmem>>
        %dma_start3A_139 = tpu.memref_squeeze %dma_start3A_138 : memref<1x64x768xf32, #tpu.memory_space<vmem>> -> memref<64x768xf32, #tpu.memory_space<vmem>>
        tpu.enqueue_dma source(%dma_start3A_139 : memref<64x768xf32, #tpu.memory_space<vmem>>) target(%dma_start3A_135 : memref<64x768xf32, #tpu.memory_space<hbm>>) target_semaphore(%run_scoped3A_119 : memref<!tpu.dma_semaphore, #tpu.memory_space<semaphore_mem>>)
        %dma_wait3A_140 = arith.constant 0 : i32
        %dma_wait3A_141 = arith.constant 0 : i32
        %dma_wait3A_142 = tpu.memref_slice %arg6[%run_scoped3A, %dma_wait3A_140, %dma_wait3A_141] : memref<2x64x768xf32, #tpu.memory_space<vmem>> -> memref<1x64x768xf32, #tpu.memory_space<vmem>>
        %dma_wait3A_143 = tpu.memref_squeeze %dma_wait3A_142 : memref<1x64x768xf32, #tpu.memory_space<vmem>> -> memref<64x768xf32, #tpu.memory_space<vmem>>
        %dma_wait3A_144 = arith.constant 0 : i32
        %dma_wait3A_145 = arith.constant 0 : i32
        %dma_wait3A_146 = tpu.memref_slice %arg4[%select_n3A, %dma_wait3A_144, %dma_wait3A_145] : memref<4x8192x768xf32, #tpu.memory_space<hbm>> -> memref<1x8192x768xf32, #tpu.memory_space<hbm>>
        %dma_wait3A_147 = tpu.memref_squeeze %dma_wait3A_146 : memref<1x8192x768xf32, #tpu.memory_space<hbm>> -> memref<8192x768xf32, #tpu.memory_space<hbm>>
        %dma_wait3A_148 = arith.constant 0 : i32
        %dma_wait3A_149 = tpu.memref_slice %dma_wait3A_147[%add3A_86, %dma_wait3A_148] : memref<8192x768xf32, #tpu.memory_space<hbm>> -> memref<64x768xf32, #tpu.memory_space<hbm>>
        %dma_wait3A_150 = arith.constant 0 : i32
        %dma_wait3A_151 = arith.constant 0 : i32
        %dma_wait3A_152 = tpu.memref_slice %arg4[%select_n3A, %dma_wait3A_150, %dma_wait3A_151] : memref<4x8192x768xf32, #tpu.memory_space<hbm>> -> memref<1x8192x768xf32, #tpu.memory_space<hbm>>
        %dma_wait3A_153 = tpu.memref_squeeze %dma_wait3A_152 : memref<1x8192x768xf32, #tpu.memory_space<hbm>> -> memref<8192x768xf32, #tpu.memory_space<hbm>>
        %dma_wait3A_154 = arith.constant 0 : i32
        %dma_wait3A_155 = tpu.memref_slice %dma_wait3A_153[%add3A_86, %dma_wait3A_154] : memref<8192x768xf32, #tpu.memory_space<hbm>> -> memref<64x768xf32, #tpu.memory_space<hbm>>
        %dma_wait3A_156 = arith.constant 0 : i32
        %dma_wait3A_157 = arith.constant 0 : i32
        %dma_wait3A_158 = tpu.memref_slice %arg6[%run_scoped3A, %dma_wait3A_156, %dma_wait3A_157] : memref<2x64x768xf32, #tpu.memory_space<vmem>> -> memref<1x64x768xf32, #tpu.memory_space<vmem>>
        %dma_wait3A_159 = tpu.memref_squeeze %dma_wait3A_158 : memref<1x64x768xf32, #tpu.memory_space<vmem>> -> memref<64x768xf32, #tpu.memory_space<vmem>>
        tpu.wait_dma2 semaphore(%run_scoped3A_119 : memref<!tpu.dma_semaphore, #tpu.memory_space<semaphore_mem>>) src(%dma_wait3A_159 : memref<64x768xf32, #tpu.memory_space<vmem>>) dst(%dma_wait3A_155 : memref<64x768xf32, #tpu.memory_space<hbm>>)
        tpu.yield
      }) : () -> ()
      %add3A_87 = arith.constant 2 : i32
      %add3A_88 = arith.addi %add3A_70, %add3A_87 : i32
      %lt3A_89 = arith.constant 16 : i32
      %lt3A_90 = arith.cmpi slt, %add3A_88, %lt3A_89 : i32
      %convert_element_type3A = arith.extui %lt3A_90 : i1 to i32
      %cond3A = arith.constant 0 : i32
      %cond3A_91 = arith.cmpi ne, %convert_element_type3A, %cond3A : i32
      scf.if %cond3A_91 {
        %add3A_119 = arith.constant 2 : i32
        %add3A_120 = arith.addi %add3A_70, %add3A_119 : i32
        %mul3A_121 = arith.constant 64 : i32
        %mul3A_122 = arith.muli %add3A_120, %mul3A_121 : i32
        %dma_start3A_123 = arith.constant 0 : i32
        %dma_start3A_124 = arith.constant 0 : i32
        %dma_start3A_125 = arith.constant 0 : i32
        %dma_start3A_126 = tpu.memref_slice %arg6[%dma_start3A_123, %dma_start3A_124, %dma_start3A_125] : memref<2x64x768xf32, #tpu.memory_space<vmem>> -> memref<1x64x768xf32, #tpu.memory_space<vmem>>
        %dma_start3A_127 = tpu.memref_squeeze %dma_start3A_126 : memref<1x64x768xf32, #tpu.memory_space<vmem>> -> memref<64x768xf32, #tpu.memory_space<vmem>>
        %dma_start3A_128 = tpu.memref_slice %arg5[%mul3A_122] : memref<1024xi32, #tpu.memory_space<vmem>> -> memref<64xi32, #tpu.memory_space<vmem>>
        %dma_start3A_129 = arith.constant 0 : i32
        %dma_start3A_130 = arith.constant 0 : i32
        %dma_start3A_131 = tpu.memref_slice %arg2[%select_n3A, %dma_start3A_129, %dma_start3A_130] : memref<4x8192x768xf32, #tpu.memory_space<hbm>> -> memref<1x8192x768xf32, #tpu.memory_space<hbm>>
        %dma_start3A_132 = tpu.memref_squeeze %dma_start3A_131 : memref<1x8192x768xf32, #tpu.memory_space<hbm>> -> memref<8192x768xf32, #tpu.memory_space<hbm>>
        %dma_start3A_133 = arith.constant 0 : i32
        %dma_start3A_134 = arith.constant 0 : i32
        %dma_start3A_135 = tpu.memref_slice %dma_start3A_132[%dma_start3A_133, %dma_start3A_134] : memref<8192x768xf32, #tpu.memory_space<hbm>> -> memref<8192x768xf32, #tpu.memory_space<hbm>>
        tpu.enqueue_indirect_dma source(%dma_start3A_135 : memref<8192x768xf32, #tpu.memory_space<hbm>>) target(%dma_start3A_127 : memref<64x768xf32, #tpu.memory_space<vmem>>) offsets(%dma_start3A_128 : memref<64xi32, #tpu.memory_space<vmem>>) semaphore(%arg7 : memref<!tpu.dma_semaphore, #tpu.memory_space<semaphore_mem>>)
      } else {
      }
      %add3A_92 = arith.constant 1 : i32
      %add3A_93 = arith.addi %add3A_68, %add3A_92 : i32
      %dma_wait3A_94 = arith.constant 1 : i32
      %dma_wait3A_95 = arith.constant 0 : i32
      %dma_wait3A_96 = arith.constant 0 : i32
      %dma_wait3A_97 = tpu.memref_slice %arg6[%dma_wait3A_94, %dma_wait3A_95, %dma_wait3A_96] : memref<2x64x768xf32, #tpu.memory_space<vmem>> -> memref<1x64x768xf32, #tpu.memory_space<vmem>>
      %dma_wait3A_98 = tpu.memref_squeeze %dma_wait3A_97 : memref<1x64x768xf32, #tpu.memory_space<vmem>> -> memref<64x768xf32, #tpu.memory_space<vmem>>
      %dma_wait3A_99 = arith.constant 0 : i32
      %dma_wait3A_100 = tpu.memref_slice %arg5[%dma_wait3A_99] : memref<1024xi32, #tpu.memory_space<vmem>> -> memref<64xi32, #tpu.memory_space<vmem>>
      %dma_wait3A_101 = arith.constant 0 : i32
      %dma_wait3A_102 = arith.constant 0 : i32
      %dma_wait3A_103 = tpu.memref_slice %arg2[%select_n3A, %dma_wait3A_101, %dma_wait3A_102] : memref<4x8192x768xf32, #tpu.memory_space<hbm>> -> memref<1x8192x768xf32, #tpu.memory_space<hbm>>
      %dma_wait3A_104 = tpu.memref_squeeze %dma_wait3A_103 : memref<1x8192x768xf32, #tpu.memory_space<hbm>> -> memref<8192x768xf32, #tpu.memory_space<hbm>>
      %dma_wait3A_105 = arith.constant 0 : i32
      %dma_wait3A_106 = arith.constant 0 : i32
      %dma_wait3A_107 = tpu.memref_slice %dma_wait3A_104[%dma_wait3A_105, %dma_wait3A_106] : memref<8192x768xf32, #tpu.memory_space<hbm>> -> memref<8192x768xf32, #tpu.memory_space<hbm>>
      tpu.wait_indirect_dma semaphore(%arg7 : memref<!tpu.dma_semaphore, #tpu.memory_space<semaphore_mem>>) src(%dma_wait3A_107 : memref<8192x768xf32, #tpu.memory_space<hbm>>) dst(%dma_wait3A_98 : memref<64x768xf32, #tpu.memory_space<vmem>>)
      %mul3A_108 = arith.constant 64 : i32
      %mul3A_109 = arith.muli %add3A_93, %mul3A_108 : i32
      %add3A_110 = arith.addi %mul3A_32, %mul3A_109 : i32
      %run_scoped3A_111 = arith.constant 1 : i32
      "tpu.region"() ({
        %run_scoped3A_119 = tpu.sem_alloc : memref<!tpu.dma_semaphore, #tpu.memory_space<semaphore_mem>>
        %dma_start3A_120 = arith.constant 0 : i32
        %dma_start3A_121 = arith.constant 0 : i32
        %dma_start3A_122 = tpu.memref_slice %arg6[%run_scoped3A_111, %dma_start3A_120, %dma_start3A_121] : memref<2x64x768xf32, #tpu.memory_space<vmem>> -> memref<1x64x768xf32, #tpu.memory_space<vmem>>
        %dma_start3A_123 = tpu.memref_squeeze %dma_start3A_122 : memref<1x64x768xf32, #tpu.memory_space<vmem>> -> memref<64x768xf32, #tpu.memory_space<vmem>>
        %dma_start3A_124 = arith.constant 0 : i32
        %dma_start3A_125 = arith.constant 0 : i32
        %dma_start3A_126 = tpu.memref_slice %arg4[%select_n3A, %dma_start3A_124, %dma_start3A_125] : memref<4x8192x768xf32, #tpu.memory_space<hbm>> -> memref<1x8192x768xf32, #tpu.memory_space<hbm>>
        %dma_start3A_127 = tpu.memref_squeeze %dma_start3A_126 : memref<1x8192x768xf32, #tpu.memory_space<hbm>> -> memref<8192x768xf32, #tpu.memory_space<hbm>>
        %dma_start3A_128 = arith.constant 0 : i32
        %dma_start3A_129 = tpu.memref_slice %dma_start3A_127[%add3A_110, %dma_start3A_128] : memref<8192x768xf32, #tpu.memory_space<hbm>> -> memref<64x768xf32, #tpu.memory_space<hbm>>
        %dma_start3A_130 = arith.constant 0 : i32
        %dma_start3A_131 = arith.constant 0 : i32
        %dma_start3A_132 = tpu.memref_slice %arg4[%select_n3A, %dma_start3A_130, %dma_start3A_131] : memref<4x8192x768xf32, #tpu.memory_space<hbm>> -> memref<1x8192x768xf32, #tpu.memory_space<hbm>>
        %dma_start3A_133 = tpu.memref_squeeze %dma_start3A_132 : memref<1x8192x768xf32, #tpu.memory_space<hbm>> -> memref<8192x768xf32, #tpu.memory_space<hbm>>
        %dma_start3A_134 = arith.constant 0 : i32
        %dma_start3A_135 = tpu.memref_slice %dma_start3A_133[%add3A_110, %dma_start3A_134] : memref<8192x768xf32, #tpu.memory_space<hbm>> -> memref<64x768xf32, #tpu.memory_space<hbm>>
        %dma_start3A_136 = arith.constant 0 : i32
        %dma_start3A_137 = arith.constant 0 : i32
        %dma_start3A_138 = tpu.memref_slice %arg6[%run_scoped3A_111, %dma_start3A_136, %dma_start3A_137] : memref<2x64x768xf32, #tpu.memory_space<vmem>> -> memref<1x64x768xf32, #tpu.memory_space<vmem>>
        %dma_start3A_139 = tpu.memref_squeeze %dma_start3A_138 : memref<1x64x768xf32, #tpu.memory_space<vmem>> -> memref<64x768xf32, #tpu.memory_space<vmem>>
        tpu.enqueue_dma source(%dma_start3A_139 : memref<64x768xf32, #tpu.memory_space<vmem>>) target(%dma_start3A_135 : memref<64x768xf32, #tpu.memory_space<hbm>>) target_semaphore(%run_scoped3A_119 : memref<!tpu.dma_semaphore, #tpu.memory_space<semaphore_mem>>)
        %dma_wait3A_140 = arith.constant 0 : i32
        %dma_wait3A_141 = arith.constant 0 : i32
        %dma_wait3A_142 = tpu.memref_slice %arg6[%run_scoped3A_111, %dma_wait3A_140, %dma_wait3A_141] : memref<2x64x768xf32, #tpu.memory_space<vmem>> -> memref<1x64x768xf32, #tpu.memory_space<vmem>>
        %dma_wait3A_143 = tpu.memref_squeeze %dma_wait3A_142 : memref<1x64x768xf32, #tpu.memory_space<vmem>> -> memref<64x768xf32, #tpu.memory_space<vmem>>
        %dma_wait3A_144 = arith.constant 0 : i32
        %dma_wait3A_145 = arith.constant 0 : i32
        %dma_wait3A_146 = tpu.memref_slice %arg4[%select_n3A, %dma_wait3A_144, %dma_wait3A_145] : memref<4x8192x768xf32, #tpu.memory_space<hbm>> -> memref<1x8192x768xf32, #tpu.memory_space<hbm>>
        %dma_wait3A_147 = tpu.memref_squeeze %dma_wait3A_146 : memref<1x8192x768xf32, #tpu.memory_space<hbm>> -> memref<8192x768xf32, #tpu.memory_space<hbm>>
        %dma_wait3A_148 = arith.constant 0 : i32
        %dma_wait3A_149 = tpu.memref_slice %dma_wait3A_147[%add3A_110, %dma_wait3A_148] : memref<8192x768xf32, #tpu.memory_space<hbm>> -> memref<64x768xf32, #tpu.memory_space<hbm>>
        %dma_wait3A_150 = arith.constant 0 : i32
        %dma_wait3A_151 = arith.constant 0 : i32
        %dma_wait3A_152 = tpu.memref_slice %arg4[%select_n3A, %dma_wait3A_150, %dma_wait3A_151] : memref<4x8192x768xf32, #tpu.memory_space<hbm>> -> memref<1x8192x768xf32, #tpu.memory_space<hbm>>
        %dma_wait3A_153 = tpu.memref_squeeze %dma_wait3A_152 : memref<1x8192x768xf32, #tpu.memory_space<hbm>> -> memref<8192x768xf32, #tpu.memory_space<hbm>>
        %dma_wait3A_154 = arith.constant 0 : i32
        %dma_wait3A_155 = tpu.memref_slice %dma_wait3A_153[%add3A_110, %dma_wait3A_154] : memref<8192x768xf32, #tpu.memory_space<hbm>> -> memref<64x768xf32, #tpu.memory_space<hbm>>
        %dma_wait3A_156 = arith.constant 0 : i32
        %dma_wait3A_157 = arith.constant 0 : i32
        %dma_wait3A_158 = tpu.memref_slice %arg6[%run_scoped3A_111, %dma_wait3A_156, %dma_wait3A_157] : memref<2x64x768xf32, #tpu.memory_space<vmem>> -> memref<1x64x768xf32, #tpu.memory_space<vmem>>
        %dma_wait3A_159 = tpu.memref_squeeze %dma_wait3A_158 : memref<1x64x768xf32, #tpu.memory_space<vmem>> -> memref<64x768xf32, #tpu.memory_space<vmem>>
        tpu.wait_dma2 semaphore(%run_scoped3A_119 : memref<!tpu.dma_semaphore, #tpu.memory_space<semaphore_mem>>) src(%dma_wait3A_159 : memref<64x768xf32, #tpu.memory_space<vmem>>) dst(%dma_wait3A_155 : memref<64x768xf32, #tpu.memory_space<hbm>>)
        tpu.yield
      }) : () -> ()
      %add3A_112 = arith.constant 2 : i32
      %add3A_113 = arith.addi %add3A_93, %add3A_112 : i32
      %lt3A_114 = arith.constant 16 : i32
      %lt3A_115 = arith.cmpi slt, %add3A_113, %lt3A_114 : i32
      %convert_element_type3A_116 = arith.extui %lt3A_115 : i1 to i32
      %cond3A_117 = arith.constant 0 : i32
      %cond3A_118 = arith.cmpi ne, %convert_element_type3A_116, %cond3A_117 : i32
      scf.if %cond3A_118 {
        %add3A_119 = arith.constant 2 : i32
        %add3A_120 = arith.addi %add3A_93, %add3A_119 : i32
        %mul3A_121 = arith.constant 64 : i32
        %mul3A_122 = arith.muli %add3A_120, %mul3A_121 : i32
        %dma_start3A_123 = arith.constant 1 : i32
        %dma_start3A_124 = arith.constant 0 : i32
        %dma_start3A_125 = arith.constant 0 : i32
        %dma_start3A_126 = tpu.memref_slice %arg6[%dma_start3A_123, %dma_start3A_124, %dma_start3A_125] : memref<2x64x768xf32, #tpu.memory_space<vmem>> -> memref<1x64x768xf32, #tpu.memory_space<vmem>>
        %dma_start3A_127 = tpu.memref_squeeze %dma_start3A_126 : memref<1x64x768xf32, #tpu.memory_space<vmem>> -> memref<64x768xf32, #tpu.memory_space<vmem>>
        %dma_start3A_128 = tpu.memref_slice %arg5[%mul3A_122] : memref<1024xi32, #tpu.memory_space<vmem>> -> memref<64xi32, #tpu.memory_space<vmem>>
        %dma_start3A_129 = arith.constant 0 : i32
        %dma_start3A_130 = arith.constant 0 : i32
        %dma_start3A_131 = tpu.memref_slice %arg2[%select_n3A, %dma_start3A_129, %dma_start3A_130] : memref<4x8192x768xf32, #tpu.memory_space<hbm>> -> memref<1x8192x768xf32, #tpu.memory_space<hbm>>
        %dma_start3A_132 = tpu.memref_squeeze %dma_start3A_131 : memref<1x8192x768xf32, #tpu.memory_space<hbm>> -> memref<8192x768xf32, #tpu.memory_space<hbm>>
        %dma_start3A_133 = arith.constant 0 : i32
        %dma_start3A_134 = arith.constant 0 : i32
        %dma_start3A_135 = tpu.memref_slice %dma_start3A_132[%dma_start3A_133, %dma_start3A_134] : memref<8192x768xf32, #tpu.memory_space<hbm>> -> memref<8192x768xf32, #tpu.memory_space<hbm>>
        tpu.enqueue_indirect_dma source(%dma_start3A_135 : memref<8192x768xf32, #tpu.memory_space<hbm>>) target(%dma_start3A_127 : memref<64x768xf32, #tpu.memory_space<vmem>>) offsets(%dma_start3A_128 : memref<64xi32, #tpu.memory_space<vmem>>) semaphore(%arg7 : memref<!tpu.dma_semaphore, #tpu.memory_space<semaphore_mem>>)
      } else {
      }
    }
    %scan3A_63 = arith.constant 8 : i32
    return
  }
}

</mosaic_0001>

<sc_bundles>
// kernel: kernel.3.cloned.1.call-start
scs
__scs_entry_jumppad:
0x0: {  	(pc) =	sbr.rel $0x88, $3  }
0x1: {  	(tag) =	ssettag $0x0;
	lr =	simm.s32 $0x1  }
0x2: {  	[smem:$0x3F9F] =	sst lr;
	_ =	strace $0xD0000000  }
0x3: {  	_ = 	snop  }
0x4: {  	_ = 	snop  }
0x5: {  	_ = 	snop  }
0x6: {  	_ = 	snop  }
0x7: {  	_ = 	snop  }
__scs_overlays_trampoline_lowered:
0x8: {  	[smem:$0x3FAE] =	sst s0  }
0x9: {  	[smem:$0x3FAF] =	sst s1  }
0xa: {  	[smem:$0x3FB0] =	sst s2  }
0xb: {  	[smem:$0x3FB1] =	sst s3  }
0xc: {  	[smem:$0x3FB2] =	sst s4  }
0xd: {  	[smem:$0x3FB3] =	sst s5  }
0xe: {  	[smem:$0x3FB4] =	sst s6  }
0xf: {  	[smem:$0x3FB5] =	sst s7  }
0x10: {  	[smem:$0x3FB6] =	sst s8  }
0x11: {  	[smem:$0x3FB7] =	sst s9;
	s0 =	simm.s32 @!p0 $0x0  }
0x12: {  	s1 =	sld [smem:$0x3F9D];
	s0 =	simm.s32 @p0 $0x1  }
0x13: {  	[smem:$0x3FB8] =	sst s0;
	s0 =	simm.s32 @!p1 $0x0  }
0x14: {  	s2 =	sld [smem:$0x3F9C];
	s0 =	simm.s32 @p1 $0x1  }
0x15: {  	[smem:$0x3FB9] =	sst s0;
	s0 =	simm.s32 @!p2 $0x0  }
0x16: {  	s3 =	sld [smem:$0x3FDB];
	s0 =	simm.s32 @p2 $0x1  }
0x17: {  	s4 =	simm.s32 $0x1BF5;
	[smem:$0x3FBB] =	sst s0  }
0x18: {  	s0 =	sld [smem:$0x3F9E];
	_ =	swait.ge [sflag:s4], $0x0  }
0x19: {  	s7 =	sld [smem:$0x3F9F]  }
0x1a: {  	s8 =	sadd.s32 $0xFFFFE003, lr  }
0x1b: {  	s9 =	sadd.s32 $0xFFFFFEF7, lr;
	s5 =	simm.s32 $0xFFFFFFFF;
	p2 =	slt.u32 s8, $0xFFFFF086  }
0x1c: {  	p1 =	slt.u32 s9, $0xF7A;
	s5 =	simm.s32 @!p2 $0x0  }
0x1d: {  	s5 =	simm.s32 @p1 $0x1;
	p0 =	seq.s32 s7, s2  }
0x1e: {  	s7 =	smul.u32 @!p0 $0xF7A, s2;
	p2 =	seq.s32 @!p0 s5, $0x0  }
0x1f: {  	s9 =	smul.u32 $0xF7A, s1;
	s8 =	simm.s32 @!p0 $0x1BF5;
	p2 =	por !p2, p0  }
0x20: {  	[sflag:s8] =	ssyncset.s32 @!p0 $0xFFFFF086;
	s6 =	sadd.s32 @!p0 s3, s7;
	s7 =	simm.s32 @!p0 $0x108  }
0x21: {  	s3 =	sadd.s32 s3, s9;
	s6 =	sadd.s32 @!p0 $0x88, s6;
	s7 =	simm.s32 @p2 $0x1082  }
0x22: {  	[simem:s7], [sflag:s8] =	dma.local @!p0 [hbm:s6], $0xF7A  }
0x23: {  	s9 =	sor.u32 $0xD0000000, s2;
	s6 =	simm.s32 $0x108;
	_ =	swait.ge @!p0 [sflag:s8], $0x0  }
0x24: {  	s3 =	sadd.s32 $0x88, s3;
	s6 =	simm.s32 @!p1 $0x1082;
	[sflag:s4] =	ssyncset.s32 $0xFFFFF086  }
0x25: {  	[simem:s6], [sflag:s4] =	dma.local [hbm:s3], $0xF7A  }
0x26: {  	[smem:$0x3F9F] =	sst s1;
	(tag) =	ssettag s2;
	_ =	strace s9  }
0x27: {  	s1 =	sld [smem:$0x3FAF]  }
0x28: {  	s2 =	sld [smem:$0x3FB0]  }
0x29: {  	s4 =	sld [smem:$0x3FB2]  }
0x2a: {  	p0 =	seq.s32 s5, $0x0;
	s5 =	sld [smem:$0x3FB3]  }
0x2b: {  	s6 =	sld [smem:$0x3FB4]  }
0x2c: {  	s7 =	sld [smem:$0x3FB5]  }
0x2d: {  	s3 =	simm.s32 $0x108;
	s8 =	sld [smem:$0x3FB6]  }
0x2e: {  	s3 =	simm.s32 @!p0 $0x1082;
	s9 =	sld [smem:$0x3FB7]  }
0x2f: {  	lr =	sadd.s32 s0, s3;
	s0 =	sld [smem:$0x3FAE]  }
0x30: {  	s3 =	sld [smem:$0x3FB1]  }
0x31: {  	[smem:$0x3FBA] =	sst s10  }
0x32: {  	s10 =	sld [smem:$0x3FB8];
	_ =	sdelay $0x3  }
0x33: {  	p0 =	seq.s32 s10, $0x1;
	s10 =	sld [smem:$0x3FBA];
	_ =	sdelay $0x3  }
0x34: {  	[smem:$0x3FBA] =	sst s10  }
0x35: {  	s10 =	sld [smem:$0x3FB9];
	_ =	sdelay $0x3  }
0x36: {  	p1 =	seq.s32 s10, $0x1;
	s10 =	sld [smem:$0x3FBA];
	_ =	sdelay $0x3  }
0x37: {  	[smem:$0x3FBA] =	sst s10  }
0x38: {  	s10 =	sld [smem:$0x3FBB]  }
0x39: {  	_ = 	snop;
	(pc) =	sbr.ind lr, $3  }
0x3a: {  	_ = 	snop  }
0x3b: {  	_ = 	snop  }
0x3c: {  	p2 =	seq.s32 s10, $0x1;
	s10 =	sld [smem:$0x3FBA]  }
0x3d: {  	_ =	shalt  }
0x3e: {  	_ =	shalt  }
0x3f: {  	_ =	shalt  }
0x40: {  	_ =	shalt  }
0x41: {  	_ =	shalt  }
0x42: {  	_ =	shalt  }
0x43: {  	_ =	shalt  }
0x44: {  	_ =	shalt  }
0x45: {  	_ =	shalt  }
0x46: {  	_ =	shalt  }
0x47: {  	_ =	shalt  }
0x48: {  	_ =	shalt  }
0x49: {  	_ =	shalt  }
0x4a: {  	_ =	shalt  }
0x4b: {  	_ =	shalt  }
0x4c: {  	_ =	shalt  }
0x4d: {  	_ =	shalt  }
0x4e: {  	_ =	shalt  }
0x4f: {  	_ =	shalt  }
0x50: {  	_ =	shalt  }
0x51: {  	_ =	shalt  }
0x52: {  	_ =	shalt  }
0x53: {  	_ =	shalt  }
0x54: {  	_ =	shalt  }
0x55: {  	_ =	shalt  }
0x56: {  	_ =	shalt  }
0x57: {  	_ =	shalt  }
0x58: {  	_ =	shalt  }
0x59: {  	_ =	shalt  }
0x5a: {  	_ =	shalt  }
0x5b: {  	_ =	shalt  }
0x5c: {  	_ =	shalt  }
0x5d: {  	_ =	shalt  }
0x5e: {  	_ =	shalt  }
0x5f: {  	_ =	shalt  }
0x60: {  	_ =	shalt  }
0x61: {  	_ =	shalt  }
0x62: {  	_ =	shalt  }
0x63: {  	_ =	shalt  }
0x64: {  	_ =	shalt  }
0x65: {  	_ =	shalt  }
0x66: {  	_ =	shalt  }
0x67: {  	_ =	shalt  }
0x68: {  	_ =	shalt  }
0x69: {  	_ =	shalt  }
0x6a: {  	_ =	shalt  }
0x6b: {  	_ =	shalt  }
0x6c: {  	_ =	shalt  }
0x6d: {  	_ =	shalt  }
0x6e: {  	_ =	shalt  }
0x6f: {  	_ =	shalt  }
0x70: {  	_ =	shalt  }
0x71: {  	_ =	shalt  }
0x72: {  	_ =	shalt  }
0x73: {  	_ =	shalt  }
0x74: {  	_ =	shalt  }
0x75: {  	_ =	shalt  }
0x76: {  	_ =	shalt  }
0x77: {  	_ =	shalt  }
0x78: {  	_ =	shalt  }
0x79: {  	_ =	shalt  }
0x7a: {  	_ =	shalt  }
0x7b: {  	_ =	shalt  }
0x7c: {  	_ =	shalt  }
0x7d: {  	_ =	shalt  }
0x7e: {  	_ =	shalt  }
0x7f: {  	_ =	shalt  }
0x80: {  	_ =	shalt  }
0x81: {  	_ =	shalt  }
0x82: {  	_ =	shalt  }
0x83: {  	_ =	shalt  }
0x84: {  	_ =	shalt  }
0x85: {  	_ =	shalt  }
0x86: {  	_ =	shalt  }
0x87: {  	_ =	shalt  }
.Lfunc_end0:
.L_simem_size_0:
called_computation_lowered:
.L_overlay_start_0:
0x88: {  	s2 =	sld [smem:$0x3FD9]  }
0x89: {  	s3 =	sld [smem:$0x3FFE];
	_ =	sdelay $0x1  }
0x8a: {  	s1 =	srdreg.scid  }
0x8b: {  	s0 =	sand.u32 $0x1, s1  }
0x8c: {  	s18 =	sshll.u32 s0, $0xA;
	s2 =	sadd.s32 s3, s2  }
0x8d: {  	s2 =	sadd.s32 s2, s18  }
0x8e: {  	[smem:$0x3FC6] =	sst s2  }
0x8f: {  	_ = 	snop  }
0x90: {  	s2 =	sld [smem:$0x3FC9]  }
0x91: {  	s19 =	sld [smem:$0x3FC8]  }
0x92: {  	s4 =	sld [smem:$0x3FD0];
	(tm) =	ssettm $0x1  }
0x93: {  	s5 =	sld [smem:$0x3FFB];
	_ =	sdelay $0x3  }
0x94: {  	_ =	strace s5  }
0x95: {  	s5 =	sld [smem:$0x3FFC];
	_ =	sdelay $0x3  }
0x96: {  	_ =	strace s5  }
0x97: {  	s5 =	sld [smem:$0x3FFD];
	_ =	sdelay $0x3  }
0x98: {  	_ =	strace s5  }
0x99: {  	_ =	strace $0x8FFFFFFF  }
0x9a: {  	s20 =	sld [smem:$0x3FDB];
	_ =	sdelay $0x1  }
0x9b: {  	s6 =	simm.s32 $_scs_section_size  }
0x9c: {  	s7 =	simm.s32 $_size__tile_overlayer_lowered;
	s8 =	simm.s32 $_tile_overlayer_lowered  }
0x9d: {  	s23 =	simm.s32 $0x1BFF;
	s22 =	sshll.u32 s8, $0x1;
	s5 =	sadd.s32 s6, s20  }
0x9e: {  	s9 =	simm.s32 $0x0;
	s21 =	sshll.u32 s7, $0x1;
	s7 =	sadd.s32 s22, s5  }
0x9f: {  	[timem:s9], [sflag:s23] =	dma.local [hbm:s7], s21  }
0xa0: {  	_ =	swait.ge [sflag:s23], s21  }
0xa1: {  	s6 =	ssub.s32 $0x0, s21;
	[sflag:s23] =	ssyncset.done $0x0  }
0xa2: {  	[sflag:s23] =	ssyncadd.s32 s6;
	_ =	sdelay $0x1  }
0xa3: {  	s24 =	simm.s32 $0x1B8B  }
0xa4: {  	_ =	swait.ge [sflag:s24], $0x1  }
0xa5: {  	[sflag:s24] =	ssyncset.done $0x0  }
0xa6: {  	s25 =	simm.s32 $0x1B8E;
	[sflag:s24] =	ssyncadd.s32 $0xFFFFFFFF  }
0xa7: {  	s26 =	simm.s32 $execute0_lowered;
	[smem:$0x3FD2] =	sst s25  }
0xa8: {  	s6 =	sshll.u32 s26, $0x1;
	_ =	strace $0x80000046;
	[dreg:$0x1] =	wrdreg $0xFFFFFFFF  }
0xa9: {  	s28 =	simm.s32 $_size_execute0_lowered;
	s5 =	sadd.s32 s5, s6;
	[dreg:$0x0] =	wrdreg $0x0  }
0xaa: {  	s6 =	sshll.u32 s28, $0x1;
	[dreg:$0x2] =	wrdreg s5  }
0xab: {  	[dreg:$0x3] =	wrdreg s6  }
0xac: {  	[dreg:$0x4] =	wrdreg $0xC0  }
0xad: {  	_ =	task [dreg:s9], $0x5FFFF  }
0xae: {  	[dreg:$0x1] =	wrdreg $0xFFFFFFFF  }
0xaf: {  	[dreg:$0x0] =	wrdreg $0x60  }
0xb0: {  	[dreg:$0x2] =	wrdreg s2  }
0xb1: {  	[dreg:$0x3] =	wrdreg s19  }
0xb2: {  	[dreg:$0x4] =	wrdreg s4  }
0xb3: {  	[dreg:$0x5] =	wrdreg $0x9  }
0xb4: {  	_ =	task.clear_ibuf [dreg:s9], $0x6FFFF;
	_ =	strace $0x90000046  }
0xb5: {  	s29 =	simm.s32 $0x9;
	_ =	strace $0x80000048  }
0xb6: {  	_ =	swait.ge [sflag:s29], $0x1  }
0xb7: {  	[sflag:s29] =	ssyncadd.s32 $0xFFFFFFFF  }
0xb8: {  	_ =	strace $0x90000048  }
0xb9: {  	_ =	sfence  }
0xba: {  	s30 =	sld [smem:$0x0];
	_ =	sdelay $0x2  }
0xbb: {  	s31 =	sshll.u32 s1, $0xD;
	s1 =	sshrl.u32 s1, $0x2  }
0xbc: {  	s3 =	sand.u32 $0x4000, s31;
	s1 =	sadd.s32 s1, s30  }
0xbd: {  	s0 =	sor.u32 s3, s0;
	s1 =	sshll.u32 s1, $0x11  }
0xbe: {  	s0 =	sor.u32 s1, s0  }
0xbf: {  	s0 =	sadd.s32 $0x8F2B, s0  }
0xc0: {  	[sflag:s0] =	ssyncadd.remote.s32 $0x1  }
0xc1: {  	_ =	sfence.sel $0xFFFF  }
0xc2: {  	[dreg:$0x0] =	wrdreg $0xFFFFFFFF;
	(pc) =	sbr.abs _section_cstart, $3  }
0xc3: {  	[dreg:$0x1] =	wrdreg $0xFFFFFFFF  }
0xc4: {  	_ =	task.clear_ibuf [dreg:s9], $0x2FFFF;
	_ =	strace $0x9FFFFFFF  }
0xc5: {  	(tm) =	ssettm $0x7FFFFFFF  }
tec
execute0_lowered:
.L_overlay_start_1:
0x0: {  	(tag) =	ssettag $0x1  }
0x1: {  	s0 =	rddreg [dreg:$0x0]  }
0x2: {  	s1 =	rddreg [dreg:$0x1]  }
0x3: {  	s3 =	rddreg [dreg:$0x2];
	s4 =	srdreg.scid;
	s2 =	simm.s32 $0x0  }
0x4: {  	s8 =	stileid.u32;
	s11 =	simm.s32 $0xC400;
	s18 =	simm.s32 $0xCC00  }
0x5: {  	s19 =	simm.s32 $0xFC00;
	s20 =	simm.s32 $0x10400;
	s21 =	simm.s32 $0x10C00  }
0x6: {  	s22 =	simm.s32 $0x11400;
	s28 =	simm.s32 $0x13C00;
	s29 =	simm.s32 $0x14400  }
0x7: {  	s30 =	simm.s32 $0x14C00;
	s31 =	simm.s32 $0x15400;
	s13 =	simm.s32 $0x17C00  }
0x8: {  	s14 =	simm.s32 $0x1;
	s16 =	simm.s32 $0x0;
	s4 =	sand.u32 $0x1, s4  }
0x9: {  	[smem:$0x7FF] =	sst s2;
	s7 =	sshll.u32 s8, $0x1;
	s24 =	sshrl.u32 s8, $0x2  }
0xa: {  	s8 =	sand.u32 $0x3, s8;
	s5 =	ssub.s32 $0x2, s4;
	_ =	strace $0x80000047  }
0xb: {  	s23 =	sand.u32 $0x6, s7;
	s7 =	smul.u32 $0xC0000, s24;
	s8 =	sshll.u32 s8, $0xB  }
0xc: {  	s9 =	sshll.u32 s4, $0xA;
	s24 =	simm.s32 $0x12400;
	s6 =	sshrl.u32 s5, $0x1  }
0xd: {  	s25 =	sor.u32 s9, s8;
	s8 =	simm.s32 $0x2;
	s9 =	simm.s32 $0x400  }
0xe: {  	s6 =	ssub.s32 s5, s6;
	s5 =	sor.u32 s4, s23;
	s4 =	sadd.s32 s0, s7  }
0xf: {  	s0 =	sshrl.u32 s25, $0x3;
	s23 =	simm.s32 $0x11C00;
	s25 =	simm.s32 $0x12C00  }
.Ltmp0:
0x10: {  	s5 =	sshll.u32 s5, $0x7;
	s26 =	smax.u32 s6, $0x1;
	(pc) =	sbr.rel .LBB2_1-.Ltmp0, $4  }
0x11: {  	s10 =	sadd.s32 $0x100, s4;
	s12 =	sadd.s32 $0x200, s4;
	s6 =	simm.s32 $0x17400  }
0x12: {  	v2 =	vlaneseq.u32;
	s1 =	sadd.s32 s1, s5;
	s5 =	sadd.s32 s3, s7;
	[dreg:$0x5] =	wrdreg s26  }
0x13: {  	vm0 =	vmmov $0xffff;
	v1 =	vshrl.u32 v2, $0x3;
	s7 =	smul.u32 $0x300, s0;
	s26 =	simm.s32 $0x13400;
	s0 =	simm.s32 $0x15C00  }
0x14: {  	v0 =	vand.u32 $0x7, v2;
	v2 =	vor.u32 $0x8, v2;
	v1 =	vmul.u32 $0x8, v1;
	s3 =	simm.s32 $0x16C00;
	[dreg:$0x4] =	wrdreg s1;
	s1 =	simm.s32 $0x16400  }
.LBB2_6:
0x15: {  	s16 =	rddreg [dreg:$0x6]  }
0x16: {  	s15 =	rddreg [dreg:$0x5];
	s16 =	sadd.s32 $0x1, s16  }
0x17: {  	p0 =	sne.s32 s16, s15  }
.Ltmp1:
0x18: {  	_ = 	snop;
	(pc) =	sbr.rel @!p0 .LBB2_7-.Ltmp1, $1  }
0x19: {  	_ =	sdelay $0x3  }
.LBB2_1:
0x1a: {  	[dreg:$0x6] =	wrdreg s16  }
0x1b: {  	s15 =	rddreg [dreg:$0x4]  }
0x1c: {  	[tilespmem:s2], [sflag:$0x2] =	stream.linear.gather [hbm4b:s15+s2], $0x400, $0x38;
	[tilespmem:$0x18400] =	vst v63  }
0x1d: {  	_ =	swait.ge [sflag:s8], $0x400  }
0x1e: {  	[sflag:s8] =	ssyncset.done $0x0  }
0x1f: {  	[sflag:s8] =	ssyncadd.s32 $0xFFFFFC00  }
0x20: {  	v3 =	vld [tilespmem:$0x0];
	_ =	sdelay $0x4  }
0x21: {  	v4 =	vshrl.u32 v3, $0x3  }
0x22: {  	v4 =	vmul.u32 $0x30, v4  }
0x23: {  	v3 =	vand.u32 $0x7, v3  }
0x24: {  	v3 =	vor.u32 v3, v4  }
0x25: {  	v4 =	vperm.xlane v3, v0;
	_ =	sdelay $0x1  }
0x26: {  	v4 =	vadd.s32 v1, v4;
	_ =	sdelay $0x3  }
0x27: {  	v3 =	vperm.xlane v3, v2  }
0x28: {  	[tilespmem:s9], [sflag:$0x1] =	stream.indirect_vreg.gather [hbm4b:s4+s2], $0x80, v4, vm0, $0xb8;
	[tilespmem:$0x18400] =	vst v63  }
0x29: {  	s16 =	simm.s32 $0xC00;
	v3 =	vadd.s32 v1, v3  }
0x2a: {  	[tilespmem:s16], [sflag:$0x1] =	stream.indirect_vreg.gather [hbm4b:s10+s2], $0x80, v4, vm0, $0xb8;
	[tilespmem:$0x18400] =	vst v63  }
0x2b: {  	s17 =	simm.s32 $0x1400  }
0x2c: {  	[tilespmem:s17], [sflag:$0x1] =	stream.indirect_vreg.gather [hbm4b:s12+s2], $0x80, v4, vm0, $0xb8;
	[tilespmem:$0x18400] =	vst v63  }
0x2d: {  	s16 =	simm.s32 $0x1C00  }
0x2e: {  	[tilespmem:s16], [sflag:$0x1] =	stream.indirect_vreg.gather [hbm4b:s4+s2], $0x80, v3, vm0, $0xb8;
	[tilespmem:$0x18400] =	vst v63  }
0x2f: {  	s17 =	simm.s32 $0x2400  }
0x30: {  	[tilespmem:s17], [sflag:$0x1] =	stream.indirect_vreg.gather [hbm4b:s10+s2], $0x80, v3, vm0, $0xb8;
	[tilespmem:$0x18400] =	vst v63  }
0x31: {  	s16 =	simm.s32 $0x2C00  }
0x32: {  	[tilespmem:s16], [sflag:$0x1] =	stream.indirect_vreg.gather [hbm4b:s12+s2], $0x80, v3, vm0, $0xb8;
	[tilespmem:$0x18400] =	vst v63  }
0x33: {  	v3 =	vld [tilespmem:$0x10];
	_ =	sdelay $0x4  }
0x34: {  	v57 =	vshrl.u32 v3, $0x3  }
0x35: {  	v4 =	vmul.u32 $0x30, v57  }
0x36: {  	v3 =	vand.u32 $0x7, v3  }
0x37: {  	v3 =	vor.u32 v3, v4  }
0x38: {  	v4 =	vperm.xlane v3, v0;
	_ =	sdelay $0x1  }
0x39: {  	v4 =	vadd.s32 v1, v4;
	_ =	sdelay $0x3  }
0x3a: {  	s17 =	simm.s32 $0x3400;
	v3 =	vperm.xlane v3, v2  }
0x3b: {  	[tilespmem:s17], [sflag:$0x1] =	stream.indirect_vreg.gather [hbm4b:s4+s2], $0x80, v4, vm0, $0xb8;
	[tilespmem:$0x18400] =	vst v63  }
0x3c: {  	s16 =	simm.s32 $0x3C00;
	v3 =	vadd.s32 v1, v3  }
0x3d: {  	[tilespmem:s16], [sflag:$0x1] =	stream.indirect_vreg.gather [hbm4b:s10+s2], $0x80, v4, vm0, $0xb8;
	[tilespmem:$0x18400] =	vst v63  }
0x3e: {  	s17 =	simm.s32 $0x4400  }
0x3f: {  	[tilespmem:s17], [sflag:$0x1] =	stream.indirect_vreg.gather [hbm4b:s12+s2], $0x80, v4, vm0, $0xb8;
	[tilespmem:$0x18400] =	vst v63  }
0x40: {  	s16 =	simm.s32 $0x4C00  }
0x41: {  	[tilespmem:s16], [sflag:$0x1] =	stream.indirect_vreg.gather [hbm4b:s4+s2], $0x80, v3, vm0, $0xb8;
	[tilespmem:$0x18400] =	vst v63  }
0x42: {  	s17 =	simm.s32 $0x5400  }
0x43: {  	[tilespmem:s17], [sflag:$0x1] =	stream.indirect_vreg.gather [hbm4b:s10+s2], $0x80, v3, vm0, $0xb8;
	[tilespmem:$0x18400] =	vst v63  }
0x44: {  	s16 =	simm.s32 $0x5C00  }
0x45: {  	[tilespmem:s16], [sflag:$0x1] =	stream.indirect_vreg.gather [hbm4b:s12+s2], $0x80, v3, vm0, $0xb8;
	[tilespmem:$0x18400] =	vst v63  }
0x46: {  	v3 =	vld [tilespmem:$0x20];
	_ =	sdelay $0x4  }
0x47: {  	v58 =	vshrl.u32 v3, $0x3  }
0x48: {  	v4 =	vmul.u32 $0x30, v58  }
0x49: {  	v3 =	vand.u32 $0x7, v3  }
0x4a: {  	v3 =	vor.u32 v3, v4  }
0x4b: {  	v4 =	vperm.xlane v3, v0;
	_ =	sdelay $0x1  }
0x4c: {  	v4 =	vadd.s32 v1, v4;
	_ =	sdelay $0x3  }
0x4d: {  	s17 =	simm.s32 $0x6400;
	v3 =	vperm.xlane v3, v2  }
0x4e: {  	[tilespmem:s17], [sflag:$0x1] =	stream.indirect_vreg.gather [hbm4b:s4+s2], $0x80, v4, vm0, $0xb8;
	[tilespmem:$0x18400] =	vst v63  }
0x4f: {  	s16 =	simm.s32 $0x6C00;
	v3 =	vadd.s32 v1, v3  }
0x50: {  	[tilespmem:s16], [sflag:$0x1] =	stream.indirect_vreg.gather [hbm4b:s10+s2], $0x80, v4, vm0, $0xb8;
	[tilespmem:$0x18400] =	vst v63  }
0x51: {  	s17 =	simm.s32 $0x7400  }
0x52: {  	[tilespmem:s17], [sflag:$0x1] =	stream.indirect_vreg.gather [hbm4b:s12+s2], $0x80, v4, vm0, $0xb8;
	[tilespmem:$0x18400] =	vst v63  }
0x53: {  	s16 =	simm.s32 $0x7C00  }
0x54: {  	[tilespmem:s16], [sflag:$0x1] =	stream.indirect_vreg.gather [hbm4b:s4+s2], $0x80, v3, vm0, $0xb8;
	[tilespmem:$0x18400] =	vst v63  }
0x55: {  	s17 =	simm.s32 $0x8400  }
0x56: {  	[tilespmem:s17], [sflag:$0x1] =	stream.indirect_vreg.gather [hbm4b:s10+s2], $0x80, v3, vm0, $0xb8;
	[tilespmem:$0x18400] =	vst v63  }
0x57: {  	s16 =	simm.s32 $0x8C00  }
0x58: {  	[tilespmem:s16], [sflag:$0x1] =	stream.indirect_vreg.gather [hbm4b:s12+s2], $0x80, v3, vm0, $0xb8;
	[tilespmem:$0x18400] =	vst v63  }
0x59: {  	v3 =	vld [tilespmem:$0x30];
	_ =	sdelay $0x4  }
0x5a: {  	v59 =	vshrl.u32 v3, $0x3  }
0x5b: {  	v4 =	vmul.u32 $0x30, v59  }
0x5c: {  	v3 =	vand.u32 $0x7, v3  }
0x5d: {  	v3 =	vor.u32 v3, v4  }
0x5e: {  	v4 =	vperm.xlane v3, v0;
	_ =	sdelay $0x1  }
0x5f: {  	v4 =	vadd.s32 v1, v4;
	_ =	sdelay $0x3  }
0x60: {  	s17 =	simm.s32 $0x9400;
	v3 =	vperm.xlane v3, v2  }
0x61: {  	[tilespmem:s17], [sflag:$0x1] =	stream.indirect_vreg.gather [hbm4b:s4+s2], $0x80, v4, vm0, $0xb8;
	[tilespmem:$0x18400] =	vst v63  }
0x62: {  	s16 =	simm.s32 $0x9C00;
	v3 =	vadd.s32 v1, v3  }
0x63: {  	[tilespmem:s16], [sflag:$0x1] =	stream.indirect_vreg.gather [hbm4b:s10+s2], $0x80, v4, vm0, $0xb8;
	[tilespmem:$0x18400] =	vst v63  }
0x64: {  	s17 =	simm.s32 $0xA400  }
0x65: {  	[tilespmem:s17], [sflag:$0x1] =	stream.indirect_vreg.gather [hbm4b:s12+s2], $0x80, v4, vm0, $0xb8;
	[tilespmem:$0x18400] =	vst v63  }
0x66: {  	s16 =	simm.s32 $0xAC00  }
0x67: {  	[tilespmem:s16], [sflag:$0x1] =	stream.indirect_vreg.gather [hbm4b:s4+s2], $0x80, v3, vm0, $0xb8;
	[tilespmem:$0x18400] =	vst v63  }
0x68: {  	s17 =	simm.s32 $0xB400  }
0x69: {  	[tilespmem:s17], [sflag:$0x1] =	stream.indirect_vreg.gather [hbm4b:s10+s2], $0x80, v3, vm0, $0xb8;
	[tilespmem:$0x18400] =	vst v63  }
0x6a: {  	s16 =	simm.s32 $0xBC00  }
0x6b: {  	[tilespmem:s16], [sflag:$0x1] =	stream.indirect_vreg.gather [hbm4b:s12+s2], $0x80, v3, vm0, $0xb8;
	[tilespmem:$0x18400] =	vst v63  }
0x6c: {  	v3 =	vld [tilespmem:$0x40];
	_ =	sdelay $0x4  }
0x6d: {  	v60 =	vshrl.u32 v3, $0x3  }
0x6e: {  	v4 =	vmul.u32 $0x30, v60  }
0x6f: {  	v3 =	vand.u32 $0x7, v3  }
0x70: {  	v3 =	vor.u32 v3, v4  }
0x71: {  	v4 =	vperm.xlane v3, v0;
	_ =	sdelay $0x1  }
0x72: {  	v4 =	vadd.s32 v1, v4;
	_ =	sdelay $0x3  }
0x73: {  	v3 =	vperm.xlane v3, v2  }
0x74: {  	[tilespmem:s11], [sflag:$0x1] =	stream.indirect_vreg.gather [hbm4b:s4+s2], $0x80, v4, vm0, $0xb8;
	[tilespmem:$0x18400] =	vst v63  }
0x75: {  	v3 =	vadd.s32 v1, v3  }
0x76: {  	[tilespmem:s18], [sflag:$0x1] =	stream.indirect_vreg.gather [hbm4b:s10+s2], $0x80, v4, vm0, $0xb8;
	[tilespmem:$0x18400] =	vst v63  }
0x77: {  	s17 =	simm.s32 $0xD400  }
0x78: {  	[tilespmem:s17], [sflag:$0x1] =	stream.indirect_vreg.gather [hbm4b:s12+s2], $0x80, v4, vm0, $0xb8;
	[tilespmem:$0x18400] =	vst v63  }
0x79: {  	s16 =	simm.s32 $0xDC00  }
0x7a: {  	[tilespmem:s16], [sflag:$0x1] =	stream.indirect_vreg.gather [hbm4b:s4+s2], $0x80, v3, vm0, $0xb8;
	[tilespmem:$0x18400] =	vst v63  }
0x7b: {  	s17 =	simm.s32 $0xE400  }
0x7c: {  	[tilespmem:s17], [sflag:$0x1] =	stream.indirect_vreg.gather [hbm4b:s10+s2], $0x80, v3, vm0, $0xb8;
	[tilespmem:$0x18400] =	vst v63  }
0x7d: {  	s16 =	simm.s32 $0xEC00  }
0x7e: {  	[tilespmem:s16], [sflag:$0x1] =	stream.indirect_vreg.gather [hbm4b:s12+s2], $0x80, v3, vm0, $0xb8;
	[tilespmem:$0x18400] =	vst v63  }
0x7f: {  	v3 =	vld [tilespmem:$0x50];
	_ =	sdelay $0x4  }
0x80: {  	v61 =	vshrl.u32 v3, $0x3  }
0x81: {  	v4 =	vmul.u32 $0x30, v61  }
0x82: {  	v3 =	vand.u32 $0x7, v3  }
0x83: {  	v3 =	vor.u32 v3, v4  }
0x84: {  	v4 =	vperm.xlane v3, v0;
	_ =	sdelay $0x1  }
0x85: {  	v4 =	vadd.s32 v1, v4;
	_ =	sdelay $0x3  }
0x86: {  	s17 =	simm.s32 $0xF400;
	v3 =	vperm.xlane v3, v2  }
0x87: {  	[tilespmem:s17], [sflag:$0x1] =	stream.indirect_vreg.gather [hbm4b:s4+s2], $0x80, v4, vm0, $0xb8;
	[tilespmem:$0x18400] =	vst v63  }
0x88: {  	v3 =	vadd.s32 v1, v3  }
0x89: {  	[tilespmem:s19], [sflag:$0x1] =	stream.indirect_vreg.gather [hbm4b:s10+s2], $0x80, v4, vm0, $0xb8;
	[tilespmem:$0x18400] =	vst v63  }
0x8a: {  	_ = 	snop  }
0x8b: {  	[tilespmem:s20], [sflag:$0x1] =	stream.indirect_vreg.gather [hbm4b:s12+s2], $0x80, v4, vm0, $0xb8;
	[tilespmem:$0x18400] =	vst v63  }
0x8c: {  	_ = 	snop  }
0x8d: {  	[tilespmem:s21], [sflag:$0x1] =	stream.indirect_vreg.gather [hbm4b:s4+s2], $0x80, v3, vm0, $0xb8;
	[tilespmem:$0x18400] =	vst v63  }
0x8e: {  	_ = 	snop  }
0x8f: {  	[tilespmem:s22], [sflag:$0x1] =	stream.indirect_vreg.gather [hbm4b:s10+s2], $0x80, v3, vm0, $0xb8;
	[tilespmem:$0x18400] =	vst v63  }
0x90: {  	_ = 	snop  }
0x91: {  	[tilespmem:s23], [sflag:$0x1] =	stream.indirect_vreg.gather [hbm4b:s12+s2], $0x80, v3, vm0, $0xb8;
	[tilespmem:$0x18400] =	vst v63  }
0x92: {  	v3 =	vld [tilespmem:$0x60];
	_ =	sdelay $0x4  }
0x93: {  	v62 =	vshrl.u32 v3, $0x3  }
0x94: {  	v4 =	vmul.u32 $0x30, v62  }
0x95: {  	v3 =	vand.u32 $0x7, v3  }
0x96: {  	v3 =	vor.u32 v3, v4  }
0x97: {  	v4 =	vperm.xlane v3, v0;
	_ =	sdelay $0x1  }
0x98: {  	v4 =	vadd.s32 v1, v4;
	_ =	sdelay $0x3  }
0x99: {  	v3 =	vperm.xlane v3, v2  }
0x9a: {  	[tilespmem:s24], [sflag:$0x1] =	stream.indirect_vreg.gather [hbm4b:s4+s2], $0x80, v4, vm0, $0xb8;
	[tilespmem:$0x18400] =	vst v63  }
0x9b: {  	v3 =	vadd.s32 v1, v3  }
0x9c: {  	[tilespmem:s25], [sflag:$0x1] =	stream.indirect_vreg.gather [hbm4b:s10+s2], $0x80, v4, vm0, $0xb8;
	[tilespmem:$0x18400] =	vst v63  }
0x9d: {  	_ = 	snop  }
0x9e: {  	[tilespmem:s26], [sflag:$0x1] =	stream.indirect_vreg.gather [hbm4b:s12+s2], $0x80, v4, vm0, $0xb8;
	[tilespmem:$0x18400] =	vst v63  }
0x9f: {  	_ = 	snop  }
0xa0: {  	[tilespmem:s28], [sflag:$0x1] =	stream.indirect_vreg.gather [hbm4b:s4+s2], $0x80, v3, vm0, $0xb8;
	[tilespmem:$0x18400] =	vst v63  }
0xa1: {  	_ = 	snop  }
0xa2: {  	[tilespmem:s29], [sflag:$0x1] =	stream.indirect_vreg.gather [hbm4b:s10+s2], $0x80, v3, vm0, $0xb8;
	[tilespmem:$0x18400] =	vst v63  }
0xa3: {  	_ = 	snop  }
0xa4: {  	[tilespmem:s30], [sflag:$0x1] =	stream.indirect_vreg.gather [hbm4b:s12+s2], $0x80, v3, vm0, $0xb8;
	[tilespmem:$0x18400] =	vst v63  }
0xa5: {  	v3 =	vld [tilespmem:$0x70];
	_ =	sdelay $0x4  }
0xa6: {  	v63 =	vshrl.u32 v3, $0x3  }
0xa7: {  	v4 =	vmul.u32 $0x30, v63  }
0xa8: {  	v3 =	vand.u32 $0x7, v3  }
0xa9: {  	v3 =	vor.u32 v3, v4  }
0xaa: {  	v4 =	vperm.xlane v3, v0;
	_ =	sdelay $0x1  }
0xab: {  	v4 =	vadd.s32 v1, v4;
	_ =	sdelay $0x3  }
0xac: {  	v3 =	vperm.xlane v3, v2  }
0xad: {  	[tilespmem:s31], [sflag:$0x1] =	stream.indirect_vreg.gather [hbm4b:s4+s2], $0x80, v4, vm0, $0xb8;
	[tilespmem:$0x18400] =	vst v63  }
0xae: {  	v3 =	vadd.s32 v1, v3  }
0xaf: {  	[tilespmem:s0], [sflag:$0x1] =	stream.indirect_vreg.gather [hbm4b:s10+s2], $0x80, v4, vm0, $0xb8;
	[tilespmem:$0x18400] =	vst v63  }
0xb0: {  	_ = 	snop  }
0xb1: {  	[tilespmem:s1], [sflag:$0x1] =	stream.indirect_vreg.gather [hbm4b:s12+s2], $0x80, v4, vm0, $0xb8;
	[tilespmem:$0x18400] =	vst v63  }
0xb2: {  	_ = 	snop  }
0xb3: {  	[tilespmem:s3], [sflag:$0x1] =	stream.indirect_vreg.gather [hbm4b:s4+s2], $0x80, v3, vm0, $0xb8;
	[tilespmem:$0x18400] =	vst v63  }
0xb4: {  	_ = 	snop  }
0xb5: {  	[tilespmem:s6], [sflag:$0x1] =	stream.indirect_vreg.gather [hbm4b:s10+s2], $0x80, v3, vm0, $0xb8;
	[tilespmem:$0x18400] =	vst v63  }
0xb6: {  	s15 =	simm.s32 $0xF0;
	s16 =	simm.s32 $0x0  }
0xb7: {  	[tilespmem:s13], [sflag:$0x1] =	stream.indirect_vreg.gather [hbm4b:s12+s2], $0x80, v3, vm0, $0xb8;
	[tilespmem:$0x18400] =	vst v63  }
.LBB2_2:
0xb8: {  	_ =	swait.ge [sflag:s14], $0xC000  }
0xb9: {  	s17 =	sadd.s32 s5, s7;
	p0 =	seq.s32 s16, $0x15000;
	[sflag:s14] =	ssyncset.done $0x0  }
.Ltmp2:
0xba: {  	s17 =	sadd.s32 s16, s17;
	[sflag:s14] =	ssyncadd.s32 $0xFFFF4000;
	(pc) =	sbr.rel @p0 .LBB2_4-.Ltmp2, $4  }
0xbb: {  	[hbm4b:s17+s2] =	stream.linear.scatter [tilespmem:s9], [sflag:$0x2], $0xC000, $0x38;
	[tilespmem:$0x18400] =	vst v63  }
0xbc: {  	_ =	swait.ge [sflag:s8], $0xC000  }
0xbd: {  	[sflag:s8] =	ssyncset.done $0x0  }
0xbe: {  	[sflag:s8] =	ssyncadd.s32 $0xFFFF4000  }
0xbf: {  	v3 =	vld [tilespmem:s15+$0xFFFFFF90];
	_ =	sdelay $0x4  }
0xc0: {  	v4 =	vshrl.u32 v3, $0x3  }
0xc1: {  	v4 =	vmul.u32 $0x30, v4  }
0xc2: {  	v3 =	vand.u32 $0x7, v3  }
0xc3: {  	v3 =	vor.u32 v3, v4  }
0xc4: {  	v4 =	vperm.xlane v3, v0;
	_ =	sdelay $0x1  }
0xc5: {  	v4 =	vadd.s32 v1, v4;
	_ =	sdelay $0x3  }
0xc6: {  	v3 =	vperm.xlane v3, v2  }
0xc7: {  	[tilespmem:s9], [sflag:$0x1] =	stream.indirect_vreg.gather [hbm4b:s4+s2], $0x80, v4, vm0, $0xb8;
	[tilespmem:$0x18400] =	vst v63  }
0xc8: {  	s18 =	simm.s32 $0xC00;
	v3 =	vadd.s32 v1, v3  }
0xc9: {  	[tilespmem:s18], [sflag:$0x1] =	stream.indirect_vreg.gather [hbm4b:s10+s2], $0x80, v4, vm0, $0xb8;
	[tilespmem:$0x18400] =	vst v63  }
0xca: {  	s18 =	simm.s32 $0x1400  }
0xcb: {  	[tilespmem:s18], [sflag:$0x1] =	stream.indirect_vreg.gather [hbm4b:s12+s2], $0x80, v4, vm0, $0xb8;
	[tilespmem:$0x18400] =	vst v63  }
0xcc: {  	s18 =	simm.s32 $0x1C00  }
0xcd: {  	[tilespmem:s18], [sflag:$0x1] =	stream.indirect_vreg.gather [hbm4b:s4+s2], $0x80, v3, vm0, $0xb8;
	[tilespmem:$0x18400] =	vst v63  }
0xce: {  	s18 =	simm.s32 $0x2400  }
0xcf: {  	[tilespmem:s18], [sflag:$0x1] =	stream.indirect_vreg.gather [hbm4b:s10+s2], $0x80, v3, vm0, $0xb8;
	[tilespmem:$0x18400] =	vst v63  }
0xd0: {  	s18 =	simm.s32 $0x2C00  }
0xd1: {  	[tilespmem:s18], [sflag:$0x1] =	stream.indirect_vreg.gather [hbm4b:s12+s2], $0x80, v3, vm0, $0xb8;
	[tilespmem:$0x18400] =	vst v63  }
0xd2: {  	v3 =	vld [tilespmem:s15+$0xFFFFFFA0];
	_ =	sdelay $0x4  }
0xd3: {  	v61 =	vshrl.u32 v3, $0x3  }
0xd4: {  	v4 =	vmul.u32 $0x30, v61  }
0xd5: {  	v3 =	vand.u32 $0x7, v3  }
0xd6: {  	v3 =	vor.u32 v3, v4  }
0xd7: {  	v4 =	vperm.xlane v3, v0;
	_ =	sdelay $0x1  }
0xd8: {  	v4 =	vadd.s32 v1, v4;
	_ =	sdelay $0x3  }
0xd9: {  	s18 =	simm.s32 $0x3400;
	v3 =	vperm.xlane v3, v2  }
0xda: {  	[tilespmem:s18], [sflag:$0x1] =	stream.indirect_vreg.gather [hbm4b:s4+s2], $0x80, v4, vm0, $0xb8;
	[tilespmem:$0x18400] =	vst v63  }
0xdb: {  	v3 =	vadd.s32 v1, v3;
	s18 =	simm.s32 $0x3C00  }
0xdc: {  	[tilespmem:s18], [sflag:$0x1] =	stream.indirect_vreg.gather [hbm4b:s10+s2], $0x80, v4, vm0, $0xb8;
	[tilespmem:$0x18400] =	vst v63  }
0xdd: {  	s18 =	simm.s32 $0x4400  }
0xde: {  	[tilespmem:s18], [sflag:$0x1] =	stream.indirect_vreg.gather [hbm4b:s12+s2], $0x80, v4, vm0, $0xb8;
	[tilespmem:$0x18400] =	vst v63  }
0xdf: {  	s18 =	simm.s32 $0x4C00  }
0xe0: {  	[tilespmem:s18], [sflag:$0x1] =	stream.indirect_vreg.gather [hbm4b:s4+s2], $0x80, v3, vm0, $0xb8;
	[tilespmem:$0x18400] =	vst v63  }
0xe1: {  	s18 =	simm.s32 $0x5400  }
0xe2: {  	[tilespmem:s18], [sflag:$0x1] =	stream.indirect_vreg.gather [hbm4b:s10+s2], $0x80, v3, vm0, $0xb8;
	[tilespmem:$0x18400] =	vst v63  }
0xe3: {  	s18 =	simm.s32 $0x5C00  }
0xe4: {  	[tilespmem:s18], [sflag:$0x1] =	stream.indirect_vreg.gather [hbm4b:s12+s2], $0x80, v3, vm0, $0xb8;
	[tilespmem:$0x18400] =	vst v63  }
0xe5: {  	v3 =	vld [tilespmem:s15+$0xFFFFFFB0];
	_ =	sdelay $0x4  }
0xe6: {  	v62 =	vshrl.u32 v3, $0x3  }
0xe7: {  	v4 =	vmul.u32 $0x30, v62  }
0xe8: {  	v3 =	vand.u32 $0x7, v3  }
0xe9: {  	v3 =	vor.u32 v3, v4  }
0xea: {  	v4 =	vperm.xlane v3, v0;
	_ =	sdelay $0x1  }
0xeb: {  	v4 =	vadd.s32 v1, v4;
	_ =	sdelay $0x3  }
0xec: {  	s18 =	simm.s32 $0x6400;
	v3 =	vperm.xlane v3, v2  }
0xed: {  	[tilespmem:s18], [sflag:$0x1] =	stream.indirect_vreg.gather [hbm4b:s4+s2], $0x80, v4, vm0, $0xb8;
	[tilespmem:$0x18400] =	vst v63  }
0xee: {  	v3 =	vadd.s32 v1, v3;
	s18 =	simm.s32 $0x6C00  }
0xef: {  	[tilespmem:s18], [sflag:$0x1] =	stream.indirect_vreg.gather [hbm4b:s10+s2], $0x80, v4, vm0, $0xb8;
	[tilespmem:$0x18400] =	vst v63  }
0xf0: {  	s18 =	simm.s32 $0x7400  }
0xf1: {  	[tilespmem:s18], [sflag:$0x1] =	stream.indirect_vreg.gather [hbm4b:s12+s2], $0x80, v4, vm0, $0xb8;
	[tilespmem:$0x18400] =	vst v63  }
0xf2: {  	s18 =	simm.s32 $0x7C00  }
0xf3: {  	[tilespmem:s18], [sflag:$0x1] =	stream.indirect_vreg.gather [hbm4b:s4+s2], $0x80, v3, vm0, $0xb8;
	[tilespmem:$0x18400] =	vst v63  }
0xf4: {  	s18 =	simm.s32 $0x8400  }
0xf5: {  	[tilespmem:s18], [sflag:$0x1] =	stream.indirect_vreg.gather [hbm4b:s10+s2], $0x80, v3, vm0, $0xb8;
	[tilespmem:$0x18400] =	vst v63  }
0xf6: {  	s18 =	simm.s32 $0x8C00  }
0xf7: {  	[tilespmem:s18], [sflag:$0x1] =	stream.indirect_vreg.gather [hbm4b:s12+s2], $0x80, v3, vm0, $0xb8;
	[tilespmem:$0x18400] =	vst v63  }
0xf8: {  	v3 =	vld [tilespmem:s15+$0xFFFFFFC0];
	_ =	sdelay $0x4  }
0xf9: {  	v63 =	vshrl.u32 v3, $0x3  }
0xfa: {  	v4 =	vmul.u32 $0x30, v63  }
0xfb: {  	v3 =	vand.u32 $0x7, v3  }
0xfc: {  	v3 =	vor.u32 v3, v4  }
0xfd: {  	v4 =	vperm.xlane v3, v0;
	_ =	sdelay $0x1  }
0xfe: {  	v4 =	vadd.s32 v1, v4;
	_ =	sdelay $0x3  }
0xff: {  	s18 =	simm.s32 $0x9400;
	v3 =	vperm.xlane v3, v2  }
0x100: {  	[tilespmem:s18], [sflag:$0x1] =	stream.indirect_vreg.gather [hbm4b:s4+s2], $0x80, v4, vm0, $0xb8;
	[tilespmem:$0x18400] =	vst v63  }
0x101: {  	v3 =	vadd.s32 v1, v3;
	s18 =	simm.s32 $0x9C00  }
0x102: {  	[tilespmem:s18], [sflag:$0x1] =	stream.indirect_vreg.gather [hbm4b:s10+s2], $0x80, v4, vm0, $0xb8;
	[tilespmem:$0x18400] =	vst v63  }
0x103: {  	s18 =	simm.s32 $0xA400  }
0x104: {  	[tilespmem:s18], [sflag:$0x1] =	stream.indirect_vreg.gather [hbm4b:s12+s2], $0x80, v4, vm0, $0xb8;
	[tilespmem:$0x18400] =	vst v63  }
0x105: {  	s18 =	simm.s32 $0xAC00  }
0x106: {  	[tilespmem:s18], [sflag:$0x1] =	stream.indirect_vreg.gather [hbm4b:s4+s2], $0x80, v3, vm0, $0xb8;
	[tilespmem:$0x18400] =	vst v63  }
0x107: {  	s18 =	simm.s32 $0xB400  }
0x108: {  	[tilespmem:s18], [sflag:$0x1] =	stream.indirect_vreg.gather [hbm4b:s10+s2], $0x80, v3, vm0, $0xb8;
	[tilespmem:$0x18400] =	vst v63  }
0x109: {  	s18 =	simm.s32 $0xBC00  }
0x10a: {  	[tilespmem:s18], [sflag:$0x1] =	stream.indirect_vreg.gather [hbm4b:s12+s2], $0x80, v3, vm0, $0xb8;
	[tilespmem:$0x18400] =	vst v63  }
0x10b: {  	s18 =	simm.s32 $0xCC00  }
.LBB2_4:
0x10c: {  	_ =	swait.ge [sflag:s14], $0xC000  }
0x10d: {  	[sflag:s14] =	ssyncset.done $0x0  }
.Ltmp3:
0x10e: {  	s17 =	sadd.s32 $0x1800, s17;
	[sflag:s14] =	ssyncadd.s32 $0xFFFF4000;
	(pc) =	sbr.rel @p0 .LBB2_6-.Ltmp3, $4  }
0x10f: {  	[hbm4b:s17+s2] =	stream.linear.scatter [tilespmem:s11], [sflag:$0x2], $0xC000, $0x38;
	[tilespmem:$0x18400] =	vst v63  }
0x110: {  	_ =	swait.ge [sflag:s8], $0xC000  }
0x111: {  	[sflag:s8] =	ssyncset.done $0x0  }
0x112: {  	[sflag:s8] =	ssyncadd.s32 $0xFFFF4000  }
0x113: {  	v3 =	vld [tilespmem:s15+$0xFFFFFFD0];
	_ =	sdelay $0x4  }
0x114: {  	v4 =	vshrl.u32 v3, $0x3  }
0x115: {  	v4 =	vmul.u32 $0x30, v4  }
0x116: {  	v3 =	vand.u32 $0x7, v3  }
0x117: {  	v3 =	vor.u32 v3, v4  }
0x118: {  	v4 =	vperm.xlane v3, v0;
	_ =	sdelay $0x1  }
0x119: {  	v4 =	vadd.s32 v1, v4;
	_ =	sdelay $0x3  }
0x11a: {  	v3 =	vperm.xlane v3, v2  }
0x11b: {  	[tilespmem:s11], [sflag:$0x1] =	stream.indirect_vreg.gather [hbm4b:s4+s2], $0x80, v4, vm0, $0xb8;
	[tilespmem:$0x18400] =	vst v63  }
0x11c: {  	v3 =	vadd.s32 v1, v3  }
0x11d: {  	[tilespmem:s18], [sflag:$0x1] =	stream.indirect_vreg.gather [hbm4b:s10+s2], $0x80, v4, vm0, $0xb8;
	[tilespmem:$0x18400] =	vst v63  }
0x11e: {  	s17 =	simm.s32 $0xD400  }
0x11f: {  	[tilespmem:s17], [sflag:$0x1] =	stream.indirect_vreg.gather [hbm4b:s12+s2], $0x80, v4, vm0, $0xb8;
	[tilespmem:$0x18400] =	vst v63  }
0x120: {  	s17 =	simm.s32 $0xDC00  }
0x121: {  	[tilespmem:s17], [sflag:$0x1] =	stream.indirect_vreg.gather [hbm4b:s4+s2], $0x80, v3, vm0, $0xb8;
	[tilespmem:$0x18400] =	vst v63  }
0x122: {  	s17 =	simm.s32 $0xE400  }
0x123: {  	[tilespmem:s17], [sflag:$0x1] =	stream.indirect_vreg.gather [hbm4b:s10+s2], $0x80, v3, vm0, $0xb8;
	[tilespmem:$0x18400] =	vst v63  }
0x124: {  	s17 =	simm.s32 $0xEC00  }
0x125: {  	[tilespmem:s17], [sflag:$0x1] =	stream.indirect_vreg.gather [hbm4b:s12+s2], $0x80, v3, vm0, $0xb8;
	[tilespmem:$0x18400] =	vst v63  }
0x126: {  	v3 =	vld [tilespmem:s15+$0xFFFFFFE0];
	_ =	sdelay $0x4  }
0x127: {  	v61 =	vshrl.u32 v3, $0x3  }
0x128: {  	v4 =	vmul.u32 $0x30, v61  }
0x129: {  	v3 =	vand.u32 $0x7, v3  }
0x12a: {  	v3 =	vor.u32 v3, v4  }
0x12b: {  	v4 =	vperm.xlane v3, v0;
	_ =	sdelay $0x1  }
0x12c: {  	v4 =	vadd.s32 v1, v4;
	_ =	sdelay $0x3  }
0x12d: {  	s17 =	simm.s32 $0xF400;
	v3 =	vperm.xlane v3, v2  }
0x12e: {  	[tilespmem:s17], [sflag:$0x1] =	stream.indirect_vreg.gather [hbm4b:s4+s2], $0x80, v4, vm0, $0xb8;
	[tilespmem:$0x18400] =	vst v63  }
0x12f: {  	v3 =	vadd.s32 v1, v3  }
0x130: {  	[tilespmem:s19], [sflag:$0x1] =	stream.indirect_vreg.gather [hbm4b:s10+s2], $0x80, v4, vm0, $0xb8;
	[tilespmem:$0x18400] =	vst v63  }
0x131: {  	_ = 	snop  }
0x132: {  	[tilespmem:s20], [sflag:$0x1] =	stream.indirect_vreg.gather [hbm4b:s12+s2], $0x80, v4, vm0, $0xb8;
	[tilespmem:$0x18400] =	vst v63  }
0x133: {  	_ = 	snop  }
0x134: {  	[tilespmem:s21], [sflag:$0x1] =	stream.indirect_vreg.gather [hbm4b:s4+s2], $0x80, v3, vm0, $0xb8;
	[tilespmem:$0x18400] =	vst v63  }
0x135: {  	_ = 	snop  }
0x136: {  	[tilespmem:s22], [sflag:$0x1] =	stream.indirect_vreg.gather [hbm4b:s10+s2], $0x80, v3, vm0, $0xb8;
	[tilespmem:$0x18400] =	vst v63  }
0x137: {  	_ = 	snop  }
0x138: {  	[tilespmem:s23], [sflag:$0x1] =	stream.indirect_vreg.gather [hbm4b:s12+s2], $0x80, v3, vm0, $0xb8;
	[tilespmem:$0x18400] =	vst v63  }
0x139: {  	v3 =	vld [tilespmem:s15+$0xFFFFFFF0];
	_ =	sdelay $0x4  }
0x13a: {  	v62 =	vshrl.u32 v3, $0x3  }
0x13b: {  	v4 =	vmul.u32 $0x30, v62  }
0x13c: {  	v3 =	vand.u32 $0x7, v3  }
0x13d: {  	v3 =	vor.u32 v3, v4  }
0x13e: {  	v4 =	vperm.xlane v3, v0;
	_ =	sdelay $0x1  }
0x13f: {  	v4 =	vadd.s32 v1, v4;
	_ =	sdelay $0x3  }
0x140: {  	v3 =	vperm.xlane v3, v2  }
0x141: {  	[tilespmem:s24], [sflag:$0x1] =	stream.indirect_vreg.gather [hbm4b:s4+s2], $0x80, v4, vm0, $0xb8;
	[tilespmem:$0x18400] =	vst v63  }
0x142: {  	v3 =	vadd.s32 v1, v3  }
0x143: {  	[tilespmem:s25], [sflag:$0x1] =	stream.indirect_vreg.gather [hbm4b:s10+s2], $0x80, v4, vm0, $0xb8;
	[tilespmem:$0x18400] =	vst v63  }
0x144: {  	_ = 	snop  }
0x145: {  	[tilespmem:s26], [sflag:$0x1] =	stream.indirect_vreg.gather [hbm4b:s12+s2], $0x80, v4, vm0, $0xb8;
	[tilespmem:$0x18400] =	vst v63  }
0x146: {  	_ = 	snop  }
0x147: {  	[tilespmem:s28], [sflag:$0x1] =	stream.indirect_vreg.gather [hbm4b:s4+s2], $0x80, v3, vm0, $0xb8;
	[tilespmem:$0x18400] =	vst v63  }
0x148: {  	_ = 	snop  }
0x149: {  	[tilespmem:s29], [sflag:$0x1] =	stream.indirect_vreg.gather [hbm4b:s10+s2], $0x80, v3, vm0, $0xb8;
	[tilespmem:$0x18400] =	vst v63  }
0x14a: {  	_ = 	snop  }
0x14b: {  	[tilespmem:s30], [sflag:$0x1] =	stream.indirect_vreg.gather [hbm4b:s12+s2], $0x80, v3, vm0, $0xb8;
	[tilespmem:$0x18400] =	vst v63  }
0x14c: {  	v3 =	vld [tilespmem:s15+$0x0];
	_ =	sdelay $0x4  }
0x14d: {  	v63 =	vshrl.u32 v3, $0x3  }
0x14e: {  	v4 =	vmul.u32 $0x30, v63  }
0x14f: {  	v3 =	vand.u32 $0x7, v3  }
0x150: {  	v3 =	vor.u32 v3, v4  }
0x151: {  	v4 =	vperm.xlane v3, v0;
	_ =	sdelay $0x1  }
0x152: {  	v4 =	vadd.s32 v1, v4;
	_ =	sdelay $0x3  }
0x153: {  	v3 =	vperm.xlane v3, v2  }
0x154: {  	[tilespmem:s31], [sflag:$0x1] =	stream.indirect_vreg.gather [hbm4b:s4+s2], $0x80, v4, vm0, $0xb8;
	[tilespmem:$0x18400] =	vst v63  }
0x155: {  	v3 =	vadd.s32 v1, v3  }
0x156: {  	[tilespmem:s0], [sflag:$0x1] =	stream.indirect_vreg.gather [hbm4b:s10+s2], $0x80, v4, vm0, $0xb8;
	[tilespmem:$0x18400] =	vst v63  }
0x157: {  	_ = 	snop  }
0x158: {  	[tilespmem:s1], [sflag:$0x1] =	stream.indirect_vreg.gather [hbm4b:s12+s2], $0x80, v4, vm0, $0xb8;
	[tilespmem:$0x18400] =	vst v63  }
0x159: {  	_ = 	snop  }
0x15a: {  	[tilespmem:s3], [sflag:$0x1] =	stream.indirect_vreg.gather [hbm4b:s4+s2], $0x80, v3, vm0, $0xb8;
	[tilespmem:$0x18400] =	vst v63  }
.Ltmp4:
0x15b: {  	_ = 	snop;
	(pc) =	sbr.rel .LBB2_2-.Ltmp4, $4  }
0x15c: {  	_ = 	snop  }
0x15d: {  	[tilespmem:s6], [sflag:$0x1] =	stream.indirect_vreg.gather [hbm4b:s10+s2], $0x80, v3, vm0, $0xb8;
	[tilespmem:$0x18400] =	vst v63  }
0x15e: {  	s16 =	sadd.s32 $0x3000, s16;
	s15 =	sadd.s32 $0x80, s15  }
0x15f: {  	[tilespmem:s13], [sflag:$0x1] =	stream.indirect_vreg.gather [hbm4b:s12+s2], $0x80, v3, vm0, $0xb8;
	[tilespmem:$0x18400] =	vst v63  }
.LBB2_7:
0x160: {  	_ =	sfence.sel $0x180000  }
0x161: {  	[bflag:$0x0] =	sbarrier.arrive $0xFFFF  }
0x162: {  	_ =	strace $0x90000047  }
0x163: {  	s0 =	stileid.u32;
	[bflag:$0x2] =	sbarrier.arrive $0xFFFF  }
0x164: {  	p0 =	sne.s32 s0, $0x0;
	s0 =	rddreg [dreg:$0x3]  }
0x165: {  	s0 =	sadd.s32 @!p0 $0x100000, s0  }
0x166: {  	[sflag:s0] =	ssyncadd.tile.s32 @!p0 $0x1;
	_ =	shalt  }
.Lfunc_end2:
_tile_overlayer_lowered:
.L_overlay_start_2:
0x167: {  	(tag) =	ssettag $0x2  }
0x168: {  	s0 =	rddreg [dreg:$0x0];
	s2 =	stileid.u32  }
0x169: {  	s1 =	rddreg [dreg:$0x1];
	p0 =	sne.s32 s2, $0x0  }
0x16a: {  	s3 =	rddreg [dreg:$0x2];
	[bflag:$0x3] =	sbarrier.arrive $0xFFFF;
	s2 =	simm.s32 @!p0 $0x1C02  }
0x16b: {  	[timem:s3], [sflag:s2] =	dma.local @!p0 [hbm:s0], s1  }
0x16c: {  	s0 =	simm.s32 @!p0 $0x2  }
0x16d: {  	_ =	swait.ge @!p0 [sflag:s0], s1  }
0x16e: {  	s1 =	ssub.s32 @!p0 $0x0, s1;
	[sflag:s0] =	ssyncset.done @!p0 $0x0  }
0x16f: {  	[sflag:s0] =	ssyncadd.s32 @!p0 s1  }
0x170: {  	[bflag:$0x3] =	sbarrier.arrive $0xFFFF  }
0x171: {  	_ =	shalt  }

</sc_bundles>
